<compile_context>
chip_gen: v7x
topology: tpu7x:2x2x1
jax: 0.10.2.dev20260603
libtpu: 0.0.44.dev20260713+nightly
codegen_flags: <defaults>
</compile_context>

<pallas_src>
import functools

import jax
import jax.numpy as jnp
from jax import lax
from jax.experimental import pallas as pl
from jax.experimental.pallas import tpu as pltpu
from jax.experimental.pallas import tpu_sc as plsc

NUM_SEGMENTS = 16
ROWS_PER_SEG = 2048
COLS = 1024

TC_R = 1280
SC_R = ROWS_PER_SEG - TC_R



TC_SPB = 2


def _tc_body(x_ref, o_ref):
    i = pl.program_id(0)
    sums = jnp.sum(x_ref[...], axis=1)
    for t in range(TC_SPB):
        o_ref[pl.ds(i * TC_SPB + t, 1), :] = sums[t:t + 1]


def _tc_segsum(inp3d):
    return pl.pallas_call(
        _tc_body,
        grid=(NUM_SEGMENTS // TC_SPB,),
        in_specs=[pl.BlockSpec((TC_SPB, TC_R, COLS), lambda i: (i, 0, 0))],
        out_specs=pl.BlockSpec((NUM_SEGMENTS, COLS), lambda i: (0, 0)),
        out_shape=jax.ShapeDtypeStruct((NUM_SEGMENTS, COLS), jnp.float32),
    )(inp3d)



NC = 2
NS = 16
NW = NC * NS
NV = COLS // 16
RC = 16
NBUF = 2

W_PER_SEG = NW // NUM_SEGMENTS
ROWS_PER_W = SC_R // W_PER_SEG
NCHUNK = ROWS_PER_W // RC
SEGS_PER_CORE = NUM_SEGMENTS // NC

assert SC_R % W_PER_SEG == 0 and ROWS_PER_W % (RC * NBUF) == 0


@functools.partial(
    pl.kernel,
    out_type=jax.ShapeDtypeStruct((NUM_SEGMENTS, COLS), jnp.float32),
    mesh=plsc.VectorSubcoreMesh(core_axis_name="c", subcore_axis_name="s"),
    scratch_types=(
        [pltpu.VMEM((RC, COLS), jnp.float32) for _ in range(NBUF)]
        + [
            pltpu.VMEM((COLS,), jnp.float32),
            pltpu.VMEM((COLS,), jnp.float32),
            pltpu.VMEM_SHARED((NS, COLS), jnp.float32),
        ]
        + [pltpu.SemaphoreType.DMA for _ in range(NBUF + 1)]
    ),
)
def _sc_segsum(inp_hbm, out_hbm, *scratch):
    bufs = scratch[:NBUF]
    acc, pbuf, shared = scratch[NBUF:NBUF + 3]
    sems = scratch[NBUF + 3:NBUF + 3 + NBUF]
    semo = scratch[NBUF + 3 + NBUF]

    c = lax.axis_index("c")
    s = lax.axis_index("s")
    seg_local = c * SEGS_PER_CORE + s // W_PER_SEG
    sub = s % W_PER_SEG
    row0 = seg_local * ROWS_PER_SEG + TC_R + sub * ROWS_PER_W

    def start(k, b):
        pltpu.make_async_copy(
            inp_hbm.at[pl.ds(row0 + k * RC, RC), :],
            bufs[b],
            sems[b],
        ).start()

    def wait(b):
        pltpu.make_async_copy(
            inp_hbm.at[pl.ds(row0, RC), :],
            bufs[b],
            sems[b],
        ).wait()

    def accum(buf):
        @plsc.parallel_loop(0, NV, unroll=2)
        def _jbody(j):
            cc = j * 16
            v = acc[pl.ds(cc, 16)]
            parts = []
            for g in range(RC // 8):
                t = buf[g * 8, pl.ds(cc, 16)]
                for r in range(g * 8 + 1, g * 8 + 8):
                    t = t + buf[r, pl.ds(cc, 16)]
                parts.append(t)
            while len(parts) > 1:
                parts = [a + b for a, b in zip(parts[::2], parts[1::2])]
            acc[pl.ds(cc, 16)] = v + parts[0]

    for b in range(NBUF):
        start(b, b)
    zero = jnp.zeros((16,), jnp.float32)
    for j in range(NV):
        acc[pl.ds(j * 16, 16)] = zero

    def ring(i, carry):
        for b in range(NBUF):
            k = i * NBUF + b
            wait(b)
            accum(bufs[b])
            start(k + NBUF, b)
        return carry
    lax.fori_loop(0, (NCHUNK - NBUF) // NBUF, ring, 0)

    for b in range(NBUF):
        wait(b)
        accum(bufs[b])

    pltpu.sync_copy(acc, shared.at[s])
    plsc.subcore_barrier()

    @pl.when(sub == 0)
    def _combine():
        for t in range(1, W_PER_SEG):
            pltpu.sync_copy(shared.at[s + t], pbuf)

            @plsc.parallel_loop(0, NV, unroll=2)
            def _addp(j):
                cc = j * 16
                acc[pl.ds(cc, 16)] = acc[pl.ds(cc, 16)] + pbuf[pl.ds(cc, 16)]

        pltpu.make_async_copy(acc, out_hbm.at[seg_local], semo).start()
        pltpu.make_async_copy(acc, out_hbm.at[seg_local], semo).wait()




def _merge_body(a_ref, b_ref, o_ref):
    o_ref[...] = (a_ref[...] + b_ref[...]) * jnp.float32(1.0 / ROWS_PER_SEG)


def _merge(a, b):
    return pl.pallas_call(
        _merge_body,
        out_shape=jax.ShapeDtypeStruct((NUM_SEGMENTS, COLS), jnp.float32),
    )(a, b)


def kernel(inp):
    tc_sums = _tc_segsum(inp.reshape(NUM_SEGMENTS, ROWS_PER_SEG, COLS))
    sc_sums = _sc_segsum(inp)
    return _merge(tc_sums, sc_sums)

# --- scband reference (transcript-rebuilt; emitter-appended) ---
"""Pipeline reference for scband-scatter-reduce-aggregation-67379446940096 (READ-ONLY COPY).

The authoritative reference and input builder live on the scoring server;
editing this copy changes nothing except your own understanding.
"""

import jax, jax.numpy as jnp
import numpy as np

NUM_SEGMENTS = 16
COUNTS = np.full((NUM_SEGMENTS,), 2048, dtype=np.int32)
INDEX = np.repeat(np.arange(NUM_SEGMENTS), COUNTS)  # shape [32768]


def setup_inputs(seed: int = 0) -> dict:
    key = jax.random.key(seed)
    inp = jax.random.normal(key, (32768, 1024), dtype=jnp.float32)
    return {"inp": inp}


def reference(inp):
    index = jnp.asarray(INDEX)
    sums = jax.ops.segment_sum(inp, index, num_segments=NUM_SEGMENTS)
    counts = jax.ops.segment_sum(
        jnp.ones((inp.shape[0],), dtype=inp.dtype), index, num_segments=NUM_SEGMENTS
    )
    # scatter_mean: sum per segment divided by per-segment count
    return sums / jnp.clip(counts, 1.0, None)[:, None]

if __name__ == "__main__":
    import jax
    _d = setup_inputs()
    print(jax.jit(kernel)(*tuple(_d.values())))

</pallas_src>

<mosaic_0001>
#map = affine_map<(d0, d1) -> (0, 0)>
module attributes {stable_mosaic.version = 14 : i64} {
  func.func @_sc_segsum(%arg0: i32, %arg1: i32, %arg2: memref<32768x1024xf32, #tpu.memory_space<hbm>>, %arg3: memref<16x1024xf32, #tpu.memory_space<hbm>>, %arg4: memref<16x1024xf32, #tpu.memory_space<vmem>>, %arg5: memref<16x1024xf32, #tpu.memory_space<vmem>>, %arg6: memref<1024xf32, #tpu.memory_space<vmem>>, %arg7: memref<1024xf32, #tpu.memory_space<vmem>>, %arg8: memref<16x1024xf32, #tpu.memory_space<vmem_shared>>, %arg9: memref<!tpu.dma_semaphore, #tpu.memory_space<semaphore_mem>>, %arg10: memref<!tpu.dma_semaphore, #tpu.memory_space<semaphore_mem>>, %arg11: memref<!tpu.dma_semaphore, #tpu.memory_space<semaphore_mem>>) attributes {dimension_semantics = [#tpu.dimension_semantics<core_parallel>, #tpu.dimension_semantics<subcore_parallel>], iteration_bounds = array<i64: 2, 16>, scalar_prefetch = 0 : i64, scratch_operands = 8 : i64, tpu.core_type = #tpu.core_type<sc_vector_subcore>, window_params = [{transform_indices = #map}, {transform_indices = #map}]} {
    %mul3A = arith.constant 8 : i32
    %mul3A_0 = arith.muli %arg0, %mul3A : i32
    %jit3A = arith.constant 2 : i32
    %div3A = arith.divsi %arg1, %jit3A : i32
    %sign3A = arith.constant 0 : i32
    %sign3A_1 = arith.cmpi sgt, %arg1, %sign3A : i32
    %sign3A_2 = arith.extui %sign3A_1 : i1 to i32
    %sign3A_3 = arith.constant 0 : i32
    %sign3A_4 = arith.cmpi slt, %arg1, %sign3A_3 : i32
    %sign3A_5 = arith.extui %sign3A_4 : i1 to i32
    %sign3A_6 = arith.subi %sign3A_2, %sign3A_5 : i32
    %sign3A_7 = arith.constant 0 : i32
    %sign3A_8 = arith.cmpi sgt, %jit3A, %sign3A_7 : i32
    %sign3A_9 = arith.extui %sign3A_8 : i1 to i32
    %sign3A_10 = arith.constant 0 : i32
    %sign3A_11 = arith.cmpi slt, %jit3A, %sign3A_10 : i32
    %sign3A_12 = arith.extui %sign3A_11 : i1 to i32
    %sign3A_13 = arith.subi %sign3A_9, %sign3A_12 : i32
    %ne3A = arith.cmpi ne, %sign3A_6, %sign3A_13 : i32
    %rem3A = arith.remsi %arg1, %jit3A : i32
    %ne3A_14 = arith.constant 0 : i32
    %ne3A_15 = arith.cmpi ne, %rem3A, %ne3A_14 : i32
    %and3A = arith.andi %ne3A, %ne3A_15 : i1
    %sub3A = arith.constant 1 : i32
    %sub3A_16 = arith.subi %div3A, %sub3A : i32
    %select_n3A = arith.select %and3A, %sub3A_16, %div3A : i32
    %add3A = arith.addi %mul3A_0, %select_n3A : i32
    %jit3A_17 = arith.constant 2 : i32
    %eq3A = arith.constant 0 : i32
    %eq3A_18 = arith.cmpi eq, %jit3A_17, %eq3A : i32
    %jit3A_19 = arith.constant 1 : i32
    %select_n3A_20 = arith.select %eq3A_18, %jit3A_19, %jit3A_17 : i32
    %rem3A_21 = arith.remsi %arg1, %select_n3A_20 : i32
    %ne3A_22 = arith.constant 0 : i32
    %ne3A_23 = arith.cmpi ne, %rem3A_21, %ne3A_22 : i32
    %lt3A = arith.constant 0 : i32
    %lt3A_24 = arith.cmpi slt, %rem3A_21, %lt3A : i32
    %lt3A_25 = arith.constant 0 : i32
    %lt3A_26 = arith.cmpi slt, %select_n3A_20, %lt3A_25 : i32
    %ne3A_27 = arith.xori %lt3A_24, %lt3A_26 : i1
    %and3A_28 = arith.andi %ne3A_27, %ne3A_23 : i1
    %add3A_29 = arith.addi %rem3A_21, %select_n3A_20 : i32
    %select_n3A_30 = arith.select %and3A_28, %add3A_29, %rem3A_21 : i32
    %mul3A_31 = arith.constant 2048 : i32
    %mul3A_32 = arith.muli %add3A, %mul3A_31 : i32
    %add3A_33 = arith.constant 1280 : i32
    %add3A_34 = arith.addi %mul3A_32, %add3A_33 : i32
    %mul3A_35 = arith.constant 384 : i32
    %mul3A_36 = arith.muli %select_n3A_30, %mul3A_35 : i32
    %add3A_37 = arith.addi %add3A_34, %mul3A_36 : i32
    %add3A_38 = arith.constant 0 : i32
    %add3A_39 = arith.addi %add3A_37, %add3A_38 : i32
    %dma_start3A = arith.constant 0 : i32
    %dma_start3A_40 = tpu.memref_slice %arg2[%add3A_39, %dma_start3A] : memref<32768x1024xf32, #tpu.memory_space<hbm>> -> memref<16x1024xf32, #tpu.memory_space<hbm>>
    %dma_start3A_41 = arith.constant 0 : i32
    %dma_start3A_42 = tpu.memref_slice %arg2[%add3A_39, %dma_start3A_41] : memref<32768x1024xf32, #tpu.memory_space<hbm>> -> memref<16x1024xf32, #tpu.memory_space<hbm>>
    tpu.enqueue_dma source(%dma_start3A_42 : memref<16x1024xf32, #tpu.memory_space<hbm>>) target(%arg4 : memref<16x1024xf32, #tpu.memory_space<vmem>>) target_semaphore(%arg9 : memref<!tpu.dma_semaphore, #tpu.memory_space<semaphore_mem>>)
    %add3A_43 = arith.constant 16 : i32
    %add3A_44 = arith.addi %add3A_37, %add3A_43 : i32
    %dma_start3A_45 = arith.constant 0 : i32
    %dma_start3A_46 = tpu.memref_slice %arg2[%add3A_44, %dma_start3A_45] : memref<32768x1024xf32, #tpu.memory_space<hbm>> -> memref<16x1024xf32, #tpu.memory_space<hbm>>
    %dma_start3A_47 = arith.constant 0 : i32
    %dma_start3A_48 = tpu.memref_slice %arg2[%add3A_44, %dma_start3A_47] : memref<32768x1024xf32, #tpu.memory_space<hbm>> -> memref<16x1024xf32, #tpu.memory_space<hbm>>
    tpu.enqueue_dma source(%dma_start3A_48 : memref<16x1024xf32, #tpu.memory_space<hbm>>) target(%arg5 : memref<16x1024xf32, #tpu.memory_space<vmem>>) target_semaphore(%arg10 : memref<!tpu.dma_semaphore, #tpu.memory_space<semaphore_mem>>)
    %broadcast_in_dim3A = arith.constant 0.000000e+00 : f32
    %broadcast_in_dim3A_49 = vector.broadcast %broadcast_in_dim3A : f32 to vector<16xf32>
    %swap3A = arith.constant 0 : index
    %swap3A_50 = tpu.vector_load %arg6[%swap3A] {strides = array<i32>} : memref<1024xf32, #tpu.memory_space<vmem>>, vector<16xf32>,
    %swap3A_51 = vector.shape_cast %swap3A_50 : vector<16xf32> to vector<16xf32>
    %swap3A_52 = vector.shape_cast %broadcast_in_dim3A_49 : vector<16xf32> to vector<16xf32>
    tpu.vector_store %arg6[%swap3A], %swap3A_52 {strides = array<i32>} : memref<1024xf32, #tpu.memory_space<vmem>>, vector<16xf32>,
    %swap3A_53 = arith.constant 16 : index
    %swap3A_54 = tpu.vector_load %arg6[%swap3A_53] {strides = array<i32>} : memref<1024xf32, #tpu.memory_space<vmem>>, vector<16xf32>,
    %swap3A_55 = vector.shape_cast %swap3A_54 : vector<16xf32> to vector<16xf32>
    %swap3A_56 = vector.shape_cast %broadcast_in_dim3A_49 : vector<16xf32> to vector<16xf32>
    tpu.vector_store %arg6[%swap3A_53], %swap3A_56 {strides = array<i32>} : memref<1024xf32, #tpu.memory_space<vmem>>, vector<16xf32>,
    %swap3A_57 = arith.constant 32 : index
    %swap3A_58 = tpu.vector_load %arg6[%swap3A_57] {strides = array<i32>} : memref<1024xf32, #tpu.memory_space<vmem>>, vector<16xf32>,
    %swap3A_59 = vector.shape_cast %swap3A_58 : vector<16xf32> to vector<16xf32>
    %swap3A_60 = vector.shape_cast %broadcast_in_dim3A_49 : vector<16xf32> to vector<16xf32>
    tpu.vector_store %arg6[%swap3A_57], %swap3A_60 {strides = array<i32>} : memref<1024xf32, #tpu.memory_space<vmem>>, vector<16xf32>,
    %swap3A_61 = arith.constant 48 : index
    %swap3A_62 = tpu.vector_load %arg6[%swap3A_61] {strides = array<i32>} : memref<1024xf32, #tpu.memory_space<vmem>>, vector<16xf32>,
    %swap3A_63 = vector.shape_cast %swap3A_62 : vector<16xf32> to vector<16xf32>
    %swap3A_64 = vector.shape_cast %broadcast_in_dim3A_49 : vector<16xf32> to vector<16xf32>
    tpu.vector_store %arg6[%swap3A_61], %swap3A_64 {strides = array<i32>} : memref<1024xf32, #tpu.memory_space<vmem>>, vector<16xf32>,
    %swap3A_65 = arith.constant 64 : index
    %swap3A_66 = tpu.vector_load %arg6[%swap3A_65] {strides = array<i32>} : memref<1024xf32, #tpu.memory_space<vmem>>, vector<16xf32>,
    %swap3A_67 = vector.shape_cast %swap3A_66 : vector<16xf32> to vector<16xf32>
    %swap3A_68 = vector.shape_cast %broadcast_in_dim3A_49 : vector<16xf32> to vector<16xf32>
    tpu.vector_store %arg6[%swap3A_65], %swap3A_68 {strides = array<i32>} : memref<1024xf32, #tpu.memory_space<vmem>>, vector<16xf32>,
    %swap3A_69 = arith.constant 80 : index
    %swap3A_70 = tpu.vector_load %arg6[%swap3A_69] {strides = array<i32>} : memref<1024xf32, #tpu.memory_space<vmem>>, vector<16xf32>,
    %swap3A_71 = vector.shape_cast %swap3A_70 : vector<16xf32> to vector<16xf32>
    %swap3A_72 = vector.shape_cast %broadcast_in_dim3A_49 : vector<16xf32> to vector<16xf32>
    tpu.vector_store %arg6[%swap3A_69], %swap3A_72 {strides = array<i32>} : memref<1024xf32, #tpu.memory_space<vmem>>, vector<16xf32>,
    %swap3A_73 = arith.constant 96 : index
    %swap3A_74 = tpu.vector_load %arg6[%swap3A_73] {strides = array<i32>} : memref<1024xf32, #tpu.memory_space<vmem>>, vector<16xf32>,
    %swap3A_75 = vector.shape_cast %swap3A_74 : vector<16xf32> to vector<16xf32>
    %swap3A_76 = vector.shape_cast %broadcast_in_dim3A_49 : vector<16xf32> to vector<16xf32>
    tpu.vector_store %arg6[%swap3A_73], %swap3A_76 {strides = array<i32>} : memref<1024xf32, #tpu.memory_space<vmem>>, vector<16xf32>,
    %swap3A_77 = arith.constant 112 : index
    %swap3A_78 = tpu.vector_load %arg6[%swap3A_77] {strides = array<i32>} : memref<1024xf32, #tpu.memory_space<vmem>>, vector<16xf32>,
    %swap3A_79 = vector.shape_cast %swap3A_78 : vector<16xf32> to vector<16xf32>
    %swap3A_80 = vector.shape_cast %broadcast_in_dim3A_49 : vector<16xf32> to vector<16xf32>
    tpu.vector_store %arg6[%swap3A_77], %swap3A_80 {strides = array<i32>} : memref<1024xf32, #tpu.memory_space<vmem>>, vector<16xf32>,
    %swap3A_81 = arith.constant 128 : index
    %swap3A_82 = tpu.vector_load %arg6[%swap3A_81] {strides = array<i32>} : memref<1024xf32, #tpu.memory_space<vmem>>, vector<16xf32>,
    %swap3A_83 = vector.shape_cast %swap3A_82 : vector<16xf32> to vector<16xf32>
    %swap3A_84 = vector.shape_cast %broadcast_in_dim3A_49 : vector<16xf32> to vector<16xf32>
    tpu.vector_store %arg6[%swap3A_81], %swap3A_84 {strides = array<i32>} : memref<1024xf32, #tpu.memory_space<vmem>>, vector<16xf32>,
    %swap3A_85 = arith.constant 144 : index
    %swap3A_86 = tpu.vector_load %arg6[%swap3A_85] {strides = array<i32>} : memref<1024xf32, #tpu.memory_space<vmem>>, vector<16xf32>,
    %swap3A_87 = vector.shape_cast %swap3A_86 : vector<16xf32> to vector<16xf32>
    %swap3A_88 = vector.shape_cast %broadcast_in_dim3A_49 : vector<16xf32> to vector<16xf32>
    tpu.vector_store %arg6[%swap3A_85], %swap3A_88 {strides = array<i32>} : memref<1024xf32, #tpu.memory_space<vmem>>, vector<16xf32>,
    %swap3A_89 = arith.constant 160 : index
    %swap3A_90 = tpu.vector_load %arg6[%swap3A_89] {strides = array<i32>} : memref<1024xf32, #tpu.memory_space<vmem>>, vector<16xf32>,
    %swap3A_91 = vector.shape_cast %swap3A_90 : vector<16xf32> to vector<16xf32>
    %swap3A_92 = vector.shape_cast %broadcast_in_dim3A_49 : vector<16xf32> to vector<16xf32>
    tpu.vector_store %arg6[%swap3A_89], %swap3A_92 {strides = array<i32>} : memref<1024xf32, #tpu.memory_space<vmem>>, vector<16xf32>,
    %swap3A_93 = arith.constant 176 : index
    %swap3A_94 = tpu.vector_load %arg6[%swap3A_93] {strides = array<i32>} : memref<1024xf32, #tpu.memory_space<vmem>>, vector<16xf32>,
    %swap3A_95 = vector.shape_cast %swap3A_94 : vector<16xf32> to vector<16xf32>
    %swap3A_96 = vector.shape_cast %broadcast_in_dim3A_49 : vector<16xf32> to vector<16xf32>
    tpu.vector_store %arg6[%swap3A_93], %swap3A_96 {strides = array<i32>} : memref<1024xf32, #tpu.memory_space<vmem>>, vector<16xf32>,
    %swap3A_97 = arith.constant 192 : index
    %swap3A_98 = tpu.vector_load %arg6[%swap3A_97] {strides = array<i32>} : memref<1024xf32, #tpu.memory_space<vmem>>, vector<16xf32>,
    %swap3A_99 = vector.shape_cast %swap3A_98 : vector<16xf32> to vector<16xf32>
    %swap3A_100 = vector.shape_cast %broadcast_in_dim3A_49 : vector<16xf32> to vector<16xf32>
    tpu.vector_store %arg6[%swap3A_97], %swap3A_100 {strides = array<i32>} : memref<1024xf32, #tpu.memory_space<vmem>>, vector<16xf32>,
    %swap3A_101 = arith.constant 208 : index
    %swap3A_102 = tpu.vector_load %arg6[%swap3A_101] {strides = array<i32>} : memref<1024xf32, #tpu.memory_space<vmem>>, vector<16xf32>,
    %swap3A_103 = vector.shape_cast %swap3A_102 : vector<16xf32> to vector<16xf32>
    %swap3A_104 = vector.shape_cast %broadcast_in_dim3A_49 : vector<16xf32> to vector<16xf32>
    tpu.vector_store %arg6[%swap3A_101], %swap3A_104 {strides = array<i32>} : memref<1024xf32, #tpu.memory_space<vmem>>, vector<16xf32>,
    %swap3A_105 = arith.constant 224 : index
    %swap3A_106 = tpu.vector_load %arg6[%swap3A_105] {strides = array<i32>} : memref<1024xf32, #tpu.memory_space<vmem>>, vector<16xf32>,
    %swap3A_107 = vector.shape_cast %swap3A_106 : vector<16xf32> to vector<16xf32>
    %swap3A_108 = vector.shape_cast %broadcast_in_dim3A_49 : vector<16xf32> to vector<16xf32>
    tpu.vector_store %arg6[%swap3A_105], %swap3A_108 {strides = array<i32>} : memref<1024xf32, #tpu.memory_space<vmem>>, vector<16xf32>,
    %swap3A_109 = arith.constant 240 : index
    %swap3A_110 = tpu.vector_load %arg6[%swap3A_109] {strides = array<i32>} : memref<1024xf32, #tpu.memory_space<vmem>>, vector<16xf32>,
    %swap3A_111 = vector.shape_cast %swap3A_110 : vector<16xf32> to vector<16xf32>
    %swap3A_112 = vector.shape_cast %broadcast_in_dim3A_49 : vector<16xf32> to vector<16xf32>
    tpu.vector_store %arg6[%swap3A_109], %swap3A_112 {strides = array<i32>} : memref<1024xf32, #tpu.memory_space<vmem>>, vector<16xf32>,
    %swap3A_113 = arith.constant 256 : index
    %swap3A_114 = tpu.vector_load %arg6[%swap3A_113] {strides = array<i32>} : memref<1024xf32, #tpu.memory_space<vmem>>, vector<16xf32>,
    %swap3A_115 = vector.shape_cast %swap3A_114 : vector<16xf32> to vector<16xf32>
    %swap3A_116 = vector.shape_cast %broadcast_in_dim3A_49 : vector<16xf32> to vector<16xf32>
    tpu.vector_store %arg6[%swap3A_113], %swap3A_116 {strides = array<i32>} : memref<1024xf32, #tpu.memory_space<vmem>>, vector<16xf32>,
    %swap3A_117 = arith.constant 272 : index
    %swap3A_118 = tpu.vector_load %arg6[%swap3A_117] {strides = array<i32>} : memref<1024xf32, #tpu.memory_space<vmem>>, vector<16xf32>,
    %swap3A_119 = vector.shape_cast %swap3A_118 : vector<16xf32> to vector<16xf32>
    %swap3A_120 = vector.shape_cast %broadcast_in_dim3A_49 : vector<16xf32> to vector<16xf32>
    tpu.vector_store %arg6[%swap3A_117], %swap3A_120 {strides = array<i32>} : memref<1024xf32, #tpu.memory_space<vmem>>, vector<16xf32>,
    %swap3A_121 = arith.constant 288 : index
    %swap3A_122 = tpu.vector_load %arg6[%swap3A_121] {strides = array<i32>} : memref<1024xf32, #tpu.memory_space<vmem>>, vector<16xf32>,
    %swap3A_123 = vector.shape_cast %swap3A_122 : vector<16xf32> to vector<16xf32>
    %swap3A_124 = vector.shape_cast %broadcast_in_dim3A_49 : vector<16xf32> to vector<16xf32>
    tpu.vector_store %arg6[%swap3A_121], %swap3A_124 {strides = array<i32>} : memref<1024xf32, #tpu.memory_space<vmem>>, vector<16xf32>,
    %swap3A_125 = arith.constant 304 : index
    %swap3A_126 = tpu.vector_load %arg6[%swap3A_125] {strides = array<i32>} : memref<1024xf32, #tpu.memory_space<vmem>>, vector<16xf32>,
    %swap3A_127 = vector.shape_cast %swap3A_126 : vector<16xf32> to vector<16xf32>
    %swap3A_128 = vector.shape_cast %broadcast_in_dim3A_49 : vector<16xf32> to vector<16xf32>
    tpu.vector_store %arg6[%swap3A_125], %swap3A_128 {strides = array<i32>} : memref<1024xf32, #tpu.memory_space<vmem>>, vector<16xf32>,
    %swap3A_129 = arith.constant 320 : index
    %swap3A_130 = tpu.vector_load %arg6[%swap3A_129] {strides = array<i32>} : memref<1024xf32, #tpu.memory_space<vmem>>, vector<16xf32>,
    %swap3A_131 = vector.shape_cast %swap3A_130 : vector<16xf32> to vector<16xf32>
    %swap3A_132 = vector.shape_cast %broadcast_in_dim3A_49 : vector<16xf32> to vector<16xf32>
    tpu.vector_store %arg6[%swap3A_129], %swap3A_132 {strides = array<i32>} : memref<1024xf32, #tpu.memory_space<vmem>>, vector<16xf32>,
    %swap3A_133 = arith.constant 336 : index
    %swap3A_134 = tpu.vector_load %arg6[%swap3A_133] {strides = array<i32>} : memref<1024xf32, #tpu.memory_space<vmem>>, vector<16xf32>,
    %swap3A_135 = vector.shape_cast %swap3A_134 : vector<16xf32> to vector<16xf32>
    %swap3A_136 = vector.shape_cast %broadcast_in_dim3A_49 : vector<16xf32> to vector<16xf32>
    tpu.vector_store %arg6[%swap3A_133], %swap3A_136 {strides = array<i32>} : memref<1024xf32, #tpu.memory_space<vmem>>, vector<16xf32>,
    %swap3A_137 = arith.constant 352 : index
    %swap3A_138 = tpu.vector_load %arg6[%swap3A_137] {strides = array<i32>} : memref<1024xf32, #tpu.memory_space<vmem>>, vector<16xf32>,
    %swap3A_139 = vector.shape_cast %swap3A_138 : vector<16xf32> to vector<16xf32>
    %swap3A_140 = vector.shape_cast %broadcast_in_dim3A_49 : vector<16xf32> to vector<16xf32>
    tpu.vector_store %arg6[%swap3A_137], %swap3A_140 {strides = array<i32>} : memref<1024xf32, #tpu.memory_space<vmem>>, vector<16xf32>,
    %swap3A_141 = arith.constant 368 : index
    %swap3A_142 = tpu.vector_load %arg6[%swap3A_141] {strides = array<i32>} : memref<1024xf32, #tpu.memory_space<vmem>>, vector<16xf32>,
    %swap3A_143 = vector.shape_cast %swap3A_142 : vector<16xf32> to vector<16xf32>
    %swap3A_144 = vector.shape_cast %broadcast_in_dim3A_49 : vector<16xf32> to vector<16xf32>
    tpu.vector_store %arg6[%swap3A_141], %swap3A_144 {strides = array<i32>} : memref<1024xf32, #tpu.memory_space<vmem>>, vector<16xf32>,
    %swap3A_145 = arith.constant 384 : index
    %swap3A_146 = tpu.vector_load %arg6[%swap3A_145] {strides = array<i32>} : memref<1024xf32, #tpu.memory_space<vmem>>, vector<16xf32>,
    %swap3A_147 = vector.shape_cast %swap3A_146 : vector<16xf32> to vector<16xf32>
    %swap3A_148 = vector.shape_cast %broadcast_in_dim3A_49 : vector<16xf32> to vector<16xf32>
    tpu.vector_store %arg6[%swap3A_145], %swap3A_148 {strides = array<i32>} : memref<1024xf32, #tpu.memory_space<vmem>>, vector<16xf32>,
    %swap3A_149 = arith.constant 400 : index
    %swap3A_150 = tpu.vector_load %arg6[%swap3A_149] {strides = array<i32>} : memref<1024xf32, #tpu.memory_space<vmem>>, vector<16xf32>,
    %swap3A_151 = vector.shape_cast %swap3A_150 : vector<16xf32> to vector<16xf32>
    %swap3A_152 = vector.shape_cast %broadcast_in_dim3A_49 : vector<16xf32> to vector<16xf32>
    tpu.vector_store %arg6[%swap3A_149], %swap3A_152 {strides = array<i32>} : memref<1024xf32, #tpu.memory_space<vmem>>, vector<16xf32>,
    %swap3A_153 = arith.constant 416 : index
    %swap3A_154 = tpu.vector_load %arg6[%swap3A_153] {strides = array<i32>} : memref<1024xf32, #tpu.memory_space<vmem>>, vector<16xf32>,
    %swap3A_155 = vector.shape_cast %swap3A_154 : vector<16xf32> to vector<16xf32>
    %swap3A_156 = vector.shape_cast %broadcast_in_dim3A_49 : vector<16xf32> to vector<16xf32>
    tpu.vector_store %arg6[%swap3A_153], %swap3A_156 {strides = array<i32>} : memref<1024xf32, #tpu.memory_space<vmem>>, vector<16xf32>,
    %swap3A_157 = arith.constant 432 : index
    %swap3A_158 = tpu.vector_load %arg6[%swap3A_157] {strides = array<i32>} : memref<1024xf32, #tpu.memory_space<vmem>>, vector<16xf32>,
    %swap3A_159 = vector.shape_cast %swap3A_158 : vector<16xf32> to vector<16xf32>
    %swap3A_160 = vector.shape_cast %broadcast_in_dim3A_49 : vector<16xf32> to vector<16xf32>
    tpu.vector_store %arg6[%swap3A_157], %swap3A_160 {strides = array<i32>} : memref<1024xf32, #tpu.memory_space<vmem>>, vector<16xf32>,
    %swap3A_161 = arith.constant 448 : index
    %swap3A_162 = tpu.vector_load %arg6[%swap3A_161] {strides = array<i32>} : memref<1024xf32, #tpu.memory_space<vmem>>, vector<16xf32>,
    %swap3A_163 = vector.shape_cast %swap3A_162 : vector<16xf32> to vector<16xf32>
    %swap3A_164 = vector.shape_cast %broadcast_in_dim3A_49 : vector<16xf32> to vector<16xf32>
    tpu.vector_store %arg6[%swap3A_161], %swap3A_164 {strides = array<i32>} : memref<1024xf32, #tpu.memory_space<vmem>>, vector<16xf32>,
    %swap3A_165 = arith.constant 464 : index
    %swap3A_166 = tpu.vector_load %arg6[%swap3A_165] {strides = array<i32>} : memref<1024xf32, #tpu.memory_space<vmem>>, vector<16xf32>,
    %swap3A_167 = vector.shape_cast %swap3A_166 : vector<16xf32> to vector<16xf32>
    %swap3A_168 = vector.shape_cast %broadcast_in_dim3A_49 : vector<16xf32> to vector<16xf32>
    tpu.vector_store %arg6[%swap3A_165], %swap3A_168 {strides = array<i32>} : memref<1024xf32, #tpu.memory_space<vmem>>, vector<16xf32>,
    %swap3A_169 = arith.constant 480 : index
    %swap3A_170 = tpu.vector_load %arg6[%swap3A_169] {strides = array<i32>} : memref<1024xf32, #tpu.memory_space<vmem>>, vector<16xf32>,
    %swap3A_171 = vector.shape_cast %swap3A_170 : vector<16xf32> to vector<16xf32>
    %swap3A_172 = vector.shape_cast %broadcast_in_dim3A_49 : vector<16xf32> to vector<16xf32>
    tpu.vector_store %arg6[%swap3A_169], %swap3A_172 {strides = array<i32>} : memref<1024xf32, #tpu.memory_space<vmem>>, vector<16xf32>,
    %swap3A_173 = arith.constant 496 : index
    %swap3A_174 = tpu.vector_load %arg6[%swap3A_173] {strides = array<i32>} : memref<1024xf32, #tpu.memory_space<vmem>>, vector<16xf32>,
    %swap3A_175 = vector.shape_cast %swap3A_174 : vector<16xf32> to vector<16xf32>
    %swap3A_176 = vector.shape_cast %broadcast_in_dim3A_49 : vector<16xf32> to vector<16xf32>
    tpu.vector_store %arg6[%swap3A_173], %swap3A_176 {strides = array<i32>} : memref<1024xf32, #tpu.memory_space<vmem>>, vector<16xf32>,
    %swap3A_177 = arith.constant 512 : index
    %swap3A_178 = tpu.vector_load %arg6[%swap3A_177] {strides = array<i32>} : memref<1024xf32, #tpu.memory_space<vmem>>, vector<16xf32>,
    %swap3A_179 = vector.shape_cast %swap3A_178 : vector<16xf32> to vector<16xf32>
    %swap3A_180 = vector.shape_cast %broadcast_in_dim3A_49 : vector<16xf32> to vector<16xf32>
    tpu.vector_store %arg6[%swap3A_177], %swap3A_180 {strides = array<i32>} : memref<1024xf32, #tpu.memory_space<vmem>>, vector<16xf32>,
    %swap3A_181 = arith.constant 528 : index
    %swap3A_182 = tpu.vector_load %arg6[%swap3A_181] {strides = array<i32>} : memref<1024xf32, #tpu.memory_space<vmem>>, vector<16xf32>,
    %swap3A_183 = vector.shape_cast %swap3A_182 : vector<16xf32> to vector<16xf32>
    %swap3A_184 = vector.shape_cast %broadcast_in_dim3A_49 : vector<16xf32> to vector<16xf32>
    tpu.vector_store %arg6[%swap3A_181], %swap3A_184 {strides = array<i32>} : memref<1024xf32, #tpu.memory_space<vmem>>, vector<16xf32>,
    %swap3A_185 = arith.constant 544 : index
    %swap3A_186 = tpu.vector_load %arg6[%swap3A_185] {strides = array<i32>} : memref<1024xf32, #tpu.memory_space<vmem>>, vector<16xf32>,
    %swap3A_187 = vector.shape_cast %swap3A_186 : vector<16xf32> to vector<16xf32>
    %swap3A_188 = vector.shape_cast %broadcast_in_dim3A_49 : vector<16xf32> to vector<16xf32>
    tpu.vector_store %arg6[%swap3A_185], %swap3A_188 {strides = array<i32>} : memref<1024xf32, #tpu.memory_space<vmem>>, vector<16xf32>,
    %swap3A_189 = arith.constant 560 : index
    %swap3A_190 = tpu.vector_load %arg6[%swap3A_189] {strides = array<i32>} : memref<1024xf32, #tpu.memory_space<vmem>>, vector<16xf32>,
    %swap3A_191 = vector.shape_cast %swap3A_190 : vector<16xf32> to vector<16xf32>
    %swap3A_192 = vector.shape_cast %broadcast_in_dim3A_49 : vector<16xf32> to vector<16xf32>
    tpu.vector_store %arg6[%swap3A_189], %swap3A_192 {strides = array<i32>} : memref<1024xf32, #tpu.memory_space<vmem>>, vector<16xf32>,
    %swap3A_193 = arith.constant 576 : index
    %swap3A_194 = tpu.vector_load %arg6[%swap3A_193] {strides = array<i32>} : memref<1024xf32, #tpu.memory_space<vmem>>, vector<16xf32>,
    %swap3A_195 = vector.shape_cast %swap3A_194 : vector<16xf32> to vector<16xf32>
    %swap3A_196 = vector.shape_cast %broadcast_in_dim3A_49 : vector<16xf32> to vector<16xf32>
    tpu.vector_store %arg6[%swap3A_193], %swap3A_196 {strides = array<i32>} : memref<1024xf32, #tpu.memory_space<vmem>>, vector<16xf32>,
    %swap3A_197 = arith.constant 592 : index
    %swap3A_198 = tpu.vector_load %arg6[%swap3A_197] {strides = array<i32>} : memref<1024xf32, #tpu.memory_space<vmem>>, vector<16xf32>,
    %swap3A_199 = vector.shape_cast %swap3A_198 : vector<16xf32> to vector<16xf32>
    %swap3A_200 = vector.shape_cast %broadcast_in_dim3A_49 : vector<16xf32> to vector<16xf32>
    tpu.vector_store %arg6[%swap3A_197], %swap3A_200 {strides = array<i32>} : memref<1024xf32, #tpu.memory_space<vmem>>, vector<16xf32>,
    %swap3A_201 = arith.constant 608 : index
    %swap3A_202 = tpu.vector_load %arg6[%swap3A_201] {strides = array<i32>} : memref<1024xf32, #tpu.memory_space<vmem>>, vector<16xf32>,
    %swap3A_203 = vector.shape_cast %swap3A_202 : vector<16xf32> to vector<16xf32>
    %swap3A_204 = vector.shape_cast %broadcast_in_dim3A_49 : vector<16xf32> to vector<16xf32>
    tpu.vector_store %arg6[%swap3A_201], %swap3A_204 {strides = array<i32>} : memref<1024xf32, #tpu.memory_space<vmem>>, vector<16xf32>,
    %swap3A_205 = arith.constant 624 : index
    %swap3A_206 = tpu.vector_load %arg6[%swap3A_205] {strides = array<i32>} : memref<1024xf32, #tpu.memory_space<vmem>>, vector<16xf32>,
    %swap3A_207 = vector.shape_cast %swap3A_206 : vector<16xf32> to vector<16xf32>
    %swap3A_208 = vector.shape_cast %broadcast_in_dim3A_49 : vector<16xf32> to vector<16xf32>
    tpu.vector_store %arg6[%swap3A_205], %swap3A_208 {strides = array<i32>} : memref<1024xf32, #tpu.memory_space<vmem>>, vector<16xf32>,
    %swap3A_209 = arith.constant 640 : index
    %swap3A_210 = tpu.vector_load %arg6[%swap3A_209] {strides = array<i32>} : memref<1024xf32, #tpu.memory_space<vmem>>, vector<16xf32>,
    %swap3A_211 = vector.shape_cast %swap3A_210 : vector<16xf32> to vector<16xf32>
    %swap3A_212 = vector.shape_cast %broadcast_in_dim3A_49 : vector<16xf32> to vector<16xf32>
    tpu.vector_store %arg6[%swap3A_209], %swap3A_212 {strides = array<i32>} : memref<1024xf32, #tpu.memory_space<vmem>>, vector<16xf32>,
    %swap3A_213 = arith.constant 656 : index
    %swap3A_214 = tpu.vector_load %arg6[%swap3A_213] {strides = array<i32>} : memref<1024xf32, #tpu.memory_space<vmem>>, vector<16xf32>,
    %swap3A_215 = vector.shape_cast %swap3A_214 : vector<16xf32> to vector<16xf32>
    %swap3A_216 = vector.shape_cast %broadcast_in_dim3A_49 : vector<16xf32> to vector<16xf32>
    tpu.vector_store %arg6[%swap3A_213], %swap3A_216 {strides = array<i32>} : memref<1024xf32, #tpu.memory_space<vmem>>, vector<16xf32>,
    %swap3A_217 = arith.constant 672 : index
    %swap3A_218 = tpu.vector_load %arg6[%swap3A_217] {strides = array<i32>} : memref<1024xf32, #tpu.memory_space<vmem>>, vector<16xf32>,
    %swap3A_219 = vector.shape_cast %swap3A_218 : vector<16xf32> to vector<16xf32>
    %swap3A_220 = vector.shape_cast %broadcast_in_dim3A_49 : vector<16xf32> to vector<16xf32>
    tpu.vector_store %arg6[%swap3A_217], %swap3A_220 {strides = array<i32>} : memref<1024xf32, #tpu.memory_space<vmem>>, vector<16xf32>,
    %swap3A_221 = arith.constant 688 : index
    %swap3A_222 = tpu.vector_load %arg6[%swap3A_221] {strides = array<i32>} : memref<1024xf32, #tpu.memory_space<vmem>>, vector<16xf32>,
    %swap3A_223 = vector.shape_cast %swap3A_222 : vector<16xf32> to vector<16xf32>
    %swap3A_224 = vector.shape_cast %broadcast_in_dim3A_49 : vector<16xf32> to vector<16xf32>
    tpu.vector_store %arg6[%swap3A_221], %swap3A_224 {strides = array<i32>} : memref<1024xf32, #tpu.memory_space<vmem>>, vector<16xf32>,
    %swap3A_225 = arith.constant 704 : index
    %swap3A_226 = tpu.vector_load %arg6[%swap3A_225] {strides = array<i32>} : memref<1024xf32, #tpu.memory_space<vmem>>, vector<16xf32>,
    %swap3A_227 = vector.shape_cast %swap3A_226 : vector<16xf32> to vector<16xf32>
    %swap3A_228 = vector.shape_cast %broadcast_in_dim3A_49 : vector<16xf32> to vector<16xf32>
    tpu.vector_store %arg6[%swap3A_225], %swap3A_228 {strides = array<i32>} : memref<1024xf32, #tpu.memory_space<vmem>>, vector<16xf32>,
    %swap3A_229 = arith.constant 720 : index
    %swap3A_230 = tpu.vector_load %arg6[%swap3A_229] {strides = array<i32>} : memref<1024xf32, #tpu.memory_space<vmem>>, vector<16xf32>,
    %swap3A_231 = vector.shape_cast %swap3A_230 : vector<16xf32> to vector<16xf32>
    %swap3A_232 = vector.shape_cast %broadcast_in_dim3A_49 : vector<16xf32> to vector<16xf32>
    tpu.vector_store %arg6[%swap3A_229], %swap3A_232 {strides = array<i32>} : memref<1024xf32, #tpu.memory_space<vmem>>, vector<16xf32>,
    %swap3A_233 = arith.constant 736 : index
    %swap3A_234 = tpu.vector_load %arg6[%swap3A_233] {strides = array<i32>} : memref<1024xf32, #tpu.memory_space<vmem>>, vector<16xf32>,
    %swap3A_235 = vector.shape_cast %swap3A_234 : vector<16xf32> to vector<16xf32>
    %swap3A_236 = vector.shape_cast %broadcast_in_dim3A_49 : vector<16xf32> to vector<16xf32>
    tpu.vector_store %arg6[%swap3A_233], %swap3A_236 {strides = array<i32>} : memref<1024xf32, #tpu.memory_space<vmem>>, vector<16xf32>,
    %swap3A_237 = arith.constant 752 : index
    %swap3A_238 = tpu.vector_load %arg6[%swap3A_237] {strides = array<i32>} : memref<1024xf32, #tpu.memory_space<vmem>>, vector<16xf32>,
    %swap3A_239 = vector.shape_cast %swap3A_238 : vector<16xf32> to vector<16xf32>
    %swap3A_240 = vector.shape_cast %broadcast_in_dim3A_49 : vector<16xf32> to vector<16xf32>
    tpu.vector_store %arg6[%swap3A_237], %swap3A_240 {strides = array<i32>} : memref<1024xf32, #tpu.memory_space<vmem>>, vector<16xf32>,
    %swap3A_241 = arith.constant 768 : index
    %swap3A_242 = tpu.vector_load %arg6[%swap3A_241] {strides = array<i32>} : memref<1024xf32, #tpu.memory_space<vmem>>, vector<16xf32>,
    %swap3A_243 = vector.shape_cast %swap3A_242 : vector<16xf32> to vector<16xf32>
    %swap3A_244 = vector.shape_cast %broadcast_in_dim3A_49 : vector<16xf32> to vector<16xf32>
    tpu.vector_store %arg6[%swap3A_241], %swap3A_244 {strides = array<i32>} : memref<1024xf32, #tpu.memory_space<vmem>>, vector<16xf32>,
    %swap3A_245 = arith.constant 784 : index
    %swap3A_246 = tpu.vector_load %arg6[%swap3A_245] {strides = array<i32>} : memref<1024xf32, #tpu.memory_space<vmem>>, vector<16xf32>,
    %swap3A_247 = vector.shape_cast %swap3A_246 : vector<16xf32> to vector<16xf32>
    %swap3A_248 = vector.shape_cast %broadcast_in_dim3A_49 : vector<16xf32> to vector<16xf32>
    tpu.vector_store %arg6[%swap3A_245], %swap3A_248 {strides = array<i32>} : memref<1024xf32, #tpu.memory_space<vmem>>, vector<16xf32>,
    %swap3A_249 = arith.constant 800 : index
    %swap3A_250 = tpu.vector_load %arg6[%swap3A_249] {strides = array<i32>} : memref<1024xf32, #tpu.memory_space<vmem>>, vector<16xf32>,
    %swap3A_251 = vector.shape_cast %swap3A_250 : vector<16xf32> to vector<16xf32>
    %swap3A_252 = vector.shape_cast %broadcast_in_dim3A_49 : vector<16xf32> to vector<16xf32>
    tpu.vector_store %arg6[%swap3A_249], %swap3A_252 {strides = array<i32>} : memref<1024xf32, #tpu.memory_space<vmem>>, vector<16xf32>,
    %swap3A_253 = arith.constant 816 : index
    %swap3A_254 = tpu.vector_load %arg6[%swap3A_253] {strides = array<i32>} : memref<1024xf32, #tpu.memory_space<vmem>>, vector<16xf32>,
    %swap3A_255 = vector.shape_cast %swap3A_254 : vector<16xf32> to vector<16xf32>
    %swap3A_256 = vector.shape_cast %broadcast_in_dim3A_49 : vector<16xf32> to vector<16xf32>
    tpu.vector_store %arg6[%swap3A_253], %swap3A_256 {strides = array<i32>} : memref<1024xf32, #tpu.memory_space<vmem>>, vector<16xf32>,
    %swap3A_257 = arith.constant 832 : index
    %swap3A_258 = tpu.vector_load %arg6[%swap3A_257] {strides = array<i32>} : memref<1024xf32, #tpu.memory_space<vmem>>, vector<16xf32>,
    %swap3A_259 = vector.shape_cast %swap3A_258 : vector<16xf32> to vector<16xf32>
    %swap3A_260 = vector.shape_cast %broadcast_in_dim3A_49 : vector<16xf32> to vector<16xf32>
    tpu.vector_store %arg6[%swap3A_257], %swap3A_260 {strides = array<i32>} : memref<1024xf32, #tpu.memory_space<vmem>>, vector<16xf32>,
    %swap3A_261 = arith.constant 848 : index
    %swap3A_262 = tpu.vector_load %arg6[%swap3A_261] {strides = array<i32>} : memref<1024xf32, #tpu.memory_space<vmem>>, vector<16xf32>,
    %swap3A_263 = vector.shape_cast %swap3A_262 : vector<16xf32> to vector<16xf32>
    %swap3A_264 = vector.shape_cast %broadcast_in_dim3A_49 : vector<16xf32> to vector<16xf32>
    tpu.vector_store %arg6[%swap3A_261], %swap3A_264 {strides = array<i32>} : memref<1024xf32, #tpu.memory_space<vmem>>, vector<16xf32>,
    %swap3A_265 = arith.constant 864 : index
    %swap3A_266 = tpu.vector_load %arg6[%swap3A_265] {strides = array<i32>} : memref<1024xf32, #tpu.memory_space<vmem>>, vector<16xf32>,
    %swap3A_267 = vector.shape_cast %swap3A_266 : vector<16xf32> to vector<16xf32>
    %swap3A_268 = vector.shape_cast %broadcast_in_dim3A_49 : vector<16xf32> to vector<16xf32>
    tpu.vector_store %arg6[%swap3A_265], %swap3A_268 {strides = array<i32>} : memref<1024xf32, #tpu.memory_space<vmem>>, vector<16xf32>,
    %swap3A_269 = arith.constant 880 : index
    %swap3A_270 = tpu.vector_load %arg6[%swap3A_269] {strides = array<i32>} : memref<1024xf32, #tpu.memory_space<vmem>>, vector<16xf32>,
    %swap3A_271 = vector.shape_cast %swap3A_270 : vector<16xf32> to vector<16xf32>
    %swap3A_272 = vector.shape_cast %broadcast_in_dim3A_49 : vector<16xf32> to vector<16xf32>
    tpu.vector_store %arg6[%swap3A_269], %swap3A_272 {strides = array<i32>} : memref<1024xf32, #tpu.memory_space<vmem>>, vector<16xf32>,
    %swap3A_273 = arith.constant 896 : index
    %swap3A_274 = tpu.vector_load %arg6[%swap3A_273] {strides = array<i32>} : memref<1024xf32, #tpu.memory_space<vmem>>, vector<16xf32>,
    %swap3A_275 = vector.shape_cast %swap3A_274 : vector<16xf32> to vector<16xf32>
    %swap3A_276 = vector.shape_cast %broadcast_in_dim3A_49 : vector<16xf32> to vector<16xf32>
    tpu.vector_store %arg6[%swap3A_273], %swap3A_276 {strides = array<i32>} : memref<1024xf32, #tpu.memory_space<vmem>>, vector<16xf32>,
    %swap3A_277 = arith.constant 912 : index
    %swap3A_278 = tpu.vector_load %arg6[%swap3A_277] {strides = array<i32>} : memref<1024xf32, #tpu.memory_space<vmem>>, vector<16xf32>,
    %swap3A_279 = vector.shape_cast %swap3A_278 : vector<16xf32> to vector<16xf32>
    %swap3A_280 = vector.shape_cast %broadcast_in_dim3A_49 : vector<16xf32> to vector<16xf32>
    tpu.vector_store %arg6[%swap3A_277], %swap3A_280 {strides = array<i32>} : memref<1024xf32, #tpu.memory_space<vmem>>, vector<16xf32>,
    %swap3A_281 = arith.constant 928 : index
    %swap3A_282 = tpu.vector_load %arg6[%swap3A_281] {strides = array<i32>} : memref<1024xf32, #tpu.memory_space<vmem>>, vector<16xf32>,
    %swap3A_283 = vector.shape_cast %swap3A_282 : vector<16xf32> to vector<16xf32>
    %swap3A_284 = vector.shape_cast %broadcast_in_dim3A_49 : vector<16xf32> to vector<16xf32>
    tpu.vector_store %arg6[%swap3A_281], %swap3A_284 {strides = array<i32>} : memref<1024xf32, #tpu.memory_space<vmem>>, vector<16xf32>,
    %swap3A_285 = arith.constant 944 : index
    %swap3A_286 = tpu.vector_load %arg6[%swap3A_285] {strides = array<i32>} : memref<1024xf32, #tpu.memory_space<vmem>>, vector<16xf32>,
    %swap3A_287 = vector.shape_cast %swap3A_286 : vector<16xf32> to vector<16xf32>
    %swap3A_288 = vector.shape_cast %broadcast_in_dim3A_49 : vector<16xf32> to vector<16xf32>
    tpu.vector_store %arg6[%swap3A_285], %swap3A_288 {strides = array<i32>} : memref<1024xf32, #tpu.memory_space<vmem>>, vector<16xf32>,
    %swap3A_289 = arith.constant 960 : index
    %swap3A_290 = tpu.vector_load %arg6[%swap3A_289] {strides = array<i32>} : memref<1024xf32, #tpu.memory_space<vmem>>, vector<16xf32>,
    %swap3A_291 = vector.shape_cast %swap3A_290 : vector<16xf32> to vector<16xf32>
    %swap3A_292 = vector.shape_cast %broadcast_in_dim3A_49 : vector<16xf32> to vector<16xf32>
    tpu.vector_store %arg6[%swap3A_289], %swap3A_292 {strides = array<i32>} : memref<1024xf32, #tpu.memory_space<vmem>>, vector<16xf32>,
    %swap3A_293 = arith.constant 976 : index
    %swap3A_294 = tpu.vector_load %arg6[%swap3A_293] {strides = array<i32>} : memref<1024xf32, #tpu.memory_space<vmem>>, vector<16xf32>,
    %swap3A_295 = vector.shape_cast %swap3A_294 : vector<16xf32> to vector<16xf32>
    %swap3A_296 = vector.shape_cast %broadcast_in_dim3A_49 : vector<16xf32> to vector<16xf32>
    tpu.vector_store %arg6[%swap3A_293], %swap3A_296 {strides = array<i32>} : memref<1024xf32, #tpu.memory_space<vmem>>, vector<16xf32>,
    %swap3A_297 = arith.constant 992 : index
    %swap3A_298 = tpu.vector_load %arg6[%swap3A_297] {strides = array<i32>} : memref<1024xf32, #tpu.memory_space<vmem>>, vector<16xf32>,
    %swap3A_299 = vector.shape_cast %swap3A_298 : vector<16xf32> to vector<16xf32>
    %swap3A_300 = vector.shape_cast %broadcast_in_dim3A_49 : vector<16xf32> to vector<16xf32>
    tpu.vector_store %arg6[%swap3A_297], %swap3A_300 {strides = array<i32>} : memref<1024xf32, #tpu.memory_space<vmem>>, vector<16xf32>,
    %swap3A_301 = arith.constant 1008 : index
    %swap3A_302 = tpu.vector_load %arg6[%swap3A_301] {strides = array<i32>} : memref<1024xf32, #tpu.memory_space<vmem>>, vector<16xf32>,
    %swap3A_303 = vector.shape_cast %swap3A_302 : vector<16xf32> to vector<16xf32>
    %swap3A_304 = vector.shape_cast %broadcast_in_dim3A_49 : vector<16xf32> to vector<16xf32>
    tpu.vector_store %arg6[%swap3A_301], %swap3A_304 {strides = array<i32>} : memref<1024xf32, #tpu.memory_space<vmem>>, vector<16xf32>,
    %scan3A = arith.constant 0 : i32
    %scan3A_305 = arith.constant 0 : i32
    %scan3A_306 = arith.constant 11 : i32
    %scan3A_307 = arith.addi %scan3A_305, %scan3A_306 : i32
    %scan3A_308 = arith.constant 1 : i32
    scf.for %scan3A_325 = %scan3A_305 to %scan3A_307 step %scan3A_308  : i32 {
      %mul3A_326 = arith.constant 2 : i32
      %mul3A_327 = arith.muli %scan3A_325, %mul3A_326 : i32
      %add3A_328 = arith.constant 0 : i32
      %add3A_329 = arith.addi %mul3A_327, %add3A_328 : i32
      %dma_wait3A_330 = arith.constant 0 : i32
      %dma_wait3A_331 = tpu.memref_slice %arg2[%add3A_37, %dma_wait3A_330] : memref<32768x1024xf32, #tpu.memory_space<hbm>> -> memref<16x1024xf32, #tpu.memory_space<hbm>>
      %dma_wait3A_332 = arith.constant 0 : i32
      %dma_wait3A_333 = tpu.memref_slice %arg2[%add3A_37, %dma_wait3A_332] : memref<32768x1024xf32, #tpu.memory_space<hbm>> -> memref<16x1024xf32, #tpu.memory_space<hbm>>
      tpu.wait_dma2 semaphore(%arg9 : memref<!tpu.dma_semaphore, #tpu.memory_space<semaphore_mem>>) src(%dma_wait3A_333 : memref<16x1024xf32, #tpu.memory_space<hbm>>) dst(%arg4 : memref<16x1024xf32, #tpu.memory_space<vmem>>)
      %parallel_loop3A_334 = arith.constant 0 : i32
      %parallel_loop3A_335 = arith.constant 64 : i32
      %parallel_loop3A_336 = arith.constant 1 : i32
      scf.for %parallel_loop3A_366 = %parallel_loop3A_334 to %parallel_loop3A_335 step %parallel_loop3A_336  : i32 {
        %parallel_loop3A_367 = arith.constant 16 : i32
        %parallel_loop3A_368 = arith.muli %parallel_loop3A_366, %parallel_loop3A_367 : i32
        %parallel_loop3A_369 = arith.index_cast %parallel_loop3A_368 : i32 to index
        %parallel_loop3A_370 = tpu.vector_load %arg6[%parallel_loop3A_369] {strides = array<i32>} : memref<1024xf32, #tpu.memory_space<vmem>>, vector<16xf32>,
        %parallel_loop3A_371 = vector.shape_cast %parallel_loop3A_370 : vector<16xf32> to vector<16xf32>
        %parallel_loop3A_372 = arith.constant 0 : i32
        %parallel_loop3A_373 = arith.index_cast %parallel_loop3A_372 : i32 to index
        %parallel_loop3A_374 = arith.index_cast %parallel_loop3A_368 : i32 to index
        %parallel_loop3A_375 = tpu.vector_load %arg4[%parallel_loop3A_373, %parallel_loop3A_374] {strides = array<i32>} : memref<16x1024xf32, #tpu.memory_space<vmem>>, vector<1x16xf32>,
        %parallel_loop3A_376 = vector.shape_cast %parallel_loop3A_375 : vector<1x16xf32> to vector<16xf32>
        %parallel_loop3A_377 = arith.constant 1 : i32
        %parallel_loop3A_378 = arith.index_cast %parallel_loop3A_377 : i32 to index
        %parallel_loop3A_379 = arith.index_cast %parallel_loop3A_368 : i32 to index
        %parallel_loop3A_380 = tpu.vector_load %arg4[%parallel_loop3A_378, %parallel_loop3A_379] {strides = array<i32>} : memref<16x1024xf32, #tpu.memory_space<vmem>>, vector<1x16xf32>,
        %parallel_loop3A_381 = vector.shape_cast %parallel_loop3A_380 : vector<1x16xf32> to vector<16xf32>
        %parallel_loop3A_382 = arith.addf %parallel_loop3A_376, %parallel_loop3A_381 : vector<16xf32>
        %parallel_loop3A_383 = arith.constant 2 : i32
        %parallel_loop3A_384 = arith.index_cast %parallel_loop3A_383 : i32 to index
        %parallel_loop3A_385 = arith.index_cast %parallel_loop3A_368 : i32 to index
        %parallel_loop3A_386 = tpu.vector_load %arg4[%parallel_loop3A_384, %parallel_loop3A_385] {strides = array<i32>} : memref<16x1024xf32, #tpu.memory_space<vmem>>, vector<1x16xf32>,
        %parallel_loop3A_387 = vector.shape_cast %parallel_loop3A_386 : vector<1x16xf32> to vector<16xf32>
        %parallel_loop3A_388 = arith.addf %parallel_loop3A_382, %parallel_loop3A_387 : vector<16xf32>
        %parallel_loop3A_389 = arith.constant 3 : i32
        %parallel_loop3A_390 = arith.index_cast %parallel_loop3A_389 : i32 to index
        %parallel_loop3A_391 = arith.index_cast %parallel_loop3A_368 : i32 to index
        %parallel_loop3A_392 = tpu.vector_load %arg4[%parallel_loop3A_390, %parallel_loop3A_391] {strides = array<i32>} : memref<16x1024xf32, #tpu.memory_space<vmem>>, vector<1x16xf32>,
        %parallel_loop3A_393 = vector.shape_cast %parallel_loop3A_392 : vector<1x16xf32> to vector<16xf32>
        %parallel_loop3A_394 = arith.addf %parallel_loop3A_388, %parallel_loop3A_393 : vector<16xf32>
        %parallel_loop3A_395 = arith.constant 4 : i32
        %parallel_loop3A_396 = arith.index_cast %parallel_loop3A_395 : i32 to index
        %parallel_loop3A_397 = arith.index_cast %parallel_loop3A_368 : i32 to index
        %parallel_loop3A_398 = tpu.vector_load %arg4[%parallel_loop3A_396, %parallel_loop3A_397] {strides = array<i32>} : memref<16x1024xf32, #tpu.memory_space<vmem>>, vector<1x16xf32>,
        %parallel_loop3A_399 = vector.shape_cast %parallel_loop3A_398 : vector<1x16xf32> to vector<16xf32>
        %parallel_loop3A_400 = arith.addf %parallel_loop3A_394, %parallel_loop3A_399 : vector<16xf32>
        %parallel_loop3A_401 = arith.constant 5 : i32
        %parallel_loop3A_402 = arith.index_cast %parallel_loop3A_401 : i32 to index
        %parallel_loop3A_403 = arith.index_cast %parallel_loop3A_368 : i32 to index
        %parallel_loop3A_404 = tpu.vector_load %arg4[%parallel_loop3A_402, %parallel_loop3A_403] {strides = array<i32>} : memref<16x1024xf32, #tpu.memory_space<vmem>>, vector<1x16xf32>,
        %parallel_loop3A_405 = vector.shape_cast %parallel_loop3A_404 : vector<1x16xf32> to vector<16xf32>
        %parallel_loop3A_406 = arith.addf %parallel_loop3A_400, %parallel_loop3A_405 : vector<16xf32>
        %parallel_loop3A_407 = arith.constant 6 : i32
        %parallel_loop3A_408 = arith.index_cast %parallel_loop3A_407 : i32 to index
        %parallel_loop3A_409 = arith.index_cast %parallel_loop3A_368 : i32 to index
        %parallel_loop3A_410 = tpu.vector_load %arg4[%parallel_loop3A_408, %parallel_loop3A_409] {strides = array<i32>} : memref<16x1024xf32, #tpu.memory_space<vmem>>, vector<1x16xf32>,
        %parallel_loop3A_411 = vector.shape_cast %parallel_loop3A_410 : vector<1x16xf32> to vector<16xf32>
        %parallel_loop3A_412 = arith.addf %parallel_loop3A_406, %parallel_loop3A_411 : vector<16xf32>
        %parallel_loop3A_413 = arith.constant 7 : i32
        %parallel_loop3A_414 = arith.index_cast %parallel_loop3A_413 : i32 to index
        %parallel_loop3A_415 = arith.index_cast %parallel_loop3A_368 : i32 to index
        %parallel_loop3A_416 = tpu.vector_load %arg4[%parallel_loop3A_414, %parallel_loop3A_415] {strides = array<i32>} : memref<16x1024xf32, #tpu.memory_space<vmem>>, vector<1x16xf32>,
        %parallel_loop3A_417 = vector.shape_cast %parallel_loop3A_416 : vector<1x16xf32> to vector<16xf32>
        %parallel_loop3A_418 = arith.addf %parallel_loop3A_412, %parallel_loop3A_417 : vector<16xf32>
        %parallel_loop3A_419 = arith.constant 8 : i32
        %parallel_loop3A_420 = arith.index_cast %parallel_loop3A_419 : i32 to index
        %parallel_loop3A_421 = arith.index_cast %parallel_loop3A_368 : i32 to index
        %parallel_loop3A_422 = tpu.vector_load %arg4[%parallel_loop3A_420, %parallel_loop3A_421] {strides = array<i32>} : memref<16x1024xf32, #tpu.memory_space<vmem>>, vector<1x16xf32>,
        %parallel_loop3A_423 = vector.shape_cast %parallel_loop3A_422 : vector<1x16xf32> to vector<16xf32>
        %parallel_loop3A_424 = arith.constant 9 : i32
        %parallel_loop3A_425 = arith.index_cast %parallel_loop3A_424 : i32 to index
        %parallel_loop3A_426 = arith.index_cast %parallel_loop3A_368 : i32 to index
        %parallel_loop3A_427 = tpu.vector_load %arg4[%parallel_loop3A_425, %parallel_loop3A_426] {strides = array<i32>} : memref<16x1024xf32, #tpu.memory_space<vmem>>, vector<1x16xf32>,
        %parallel_loop3A_428 = vector.shape_cast %parallel_loop3A_427 : vector<1x16xf32> to vector<16xf32>
        %parallel_loop3A_429 = arith.addf %parallel_loop3A_423, %parallel_loop3A_428 : vector<16xf32>
        %parallel_loop3A_430 = arith.constant 10 : i32
        %parallel_loop3A_431 = arith.index_cast %parallel_loop3A_430 : i32 to index
        %parallel_loop3A_432 = arith.index_cast %parallel_loop3A_368 : i32 to index
        %parallel_loop3A_433 = tpu.vector_load %arg4[%parallel_loop3A_431, %parallel_loop3A_432] {strides = array<i32>} : memref<16x1024xf32, #tpu.memory_space<vmem>>, vector<1x16xf32>,
        %parallel_loop3A_434 = vector.shape_cast %parallel_loop3A_433 : vector<1x16xf32> to vector<16xf32>
        %parallel_loop3A_435 = arith.addf %parallel_loop3A_429, %parallel_loop3A_434 : vector<16xf32>
        %parallel_loop3A_436 = arith.constant 11 : i32
        %parallel_loop3A_437 = arith.index_cast %parallel_loop3A_436 : i32 to index
        %parallel_loop3A_438 = arith.index_cast %parallel_loop3A_368 : i32 to index
        %parallel_loop3A_439 = tpu.vector_load %arg4[%parallel_loop3A_437, %parallel_loop3A_438] {strides = array<i32>} : memref<16x1024xf32, #tpu.memory_space<vmem>>, vector<1x16xf32>,
        %parallel_loop3A_440 = vector.shape_cast %parallel_loop3A_439 : vector<1x16xf32> to vector<16xf32>
        %parallel_loop3A_441 = arith.addf %parallel_loop3A_435, %parallel_loop3A_440 : vector<16xf32>
        %parallel_loop3A_442 = arith.constant 12 : i32
        %parallel_loop3A_443 = arith.index_cast %parallel_loop3A_442 : i32 to index
        %parallel_loop3A_444 = arith.index_cast %parallel_loop3A_368 : i32 to index
        %parallel_loop3A_445 = tpu.vector_load %arg4[%parallel_loop3A_443, %parallel_loop3A_444] {strides = array<i32>} : memref<16x1024xf32, #tpu.memory_space<vmem>>, vector<1x16xf32>,
        %parallel_loop3A_446 = vector.shape_cast %parallel_loop3A_445 : vector<1x16xf32> to vector<16xf32>
        %parallel_loop3A_447 = arith.addf %parallel_loop3A_441, %parallel_loop3A_446 : vector<16xf32>
        %parallel_loop3A_448 = arith.constant 13 : i32
        %parallel_loop3A_449 = arith.index_cast %parallel_loop3A_448 : i32 to index
        %parallel_loop3A_450 = arith.index_cast %parallel_loop3A_368 : i32 to index
        %parallel_loop3A_451 = tpu.vector_load %arg4[%parallel_loop3A_449, %parallel_loop3A_450] {strides = array<i32>} : memref<16x1024xf32, #tpu.memory_space<vmem>>, vector<1x16xf32>,
        %parallel_loop3A_452 = vector.shape_cast %parallel_loop3A_451 : vector<1x16xf32> to vector<16xf32>
        %parallel_loop3A_453 = arith.addf %parallel_loop3A_447, %parallel_loop3A_452 : vector<16xf32>
        %parallel_loop3A_454 = arith.constant 14 : i32
        %parallel_loop3A_455 = arith.index_cast %parallel_loop3A_454 : i32 to index
        %parallel_loop3A_456 = arith.index_cast %parallel_loop3A_368 : i32 to index
        %parallel_loop3A_457 = tpu.vector_load %arg4[%parallel_loop3A_455, %parallel_loop3A_456] {strides = array<i32>} : memref<16x1024xf32, #tpu.memory_space<vmem>>, vector<1x16xf32>,
        %parallel_loop3A_458 = vector.shape_cast %parallel_loop3A_457 : vector<1x16xf32> to vector<16xf32>
        %parallel_loop3A_459 = arith.addf %parallel_loop3A_453, %parallel_loop3A_458 : vector<16xf32>
        %parallel_loop3A_460 = arith.constant 15 : i32
        %parallel_loop3A_461 = arith.index_cast %parallel_loop3A_460 : i32 to index
        %parallel_loop3A_462 = arith.index_cast %parallel_loop3A_368 : i32 to index
        %parallel_loop3A_463 = tpu.vector_load %arg4[%parallel_loop3A_461, %parallel_loop3A_462] {strides = array<i32>} : memref<16x1024xf32, #tpu.memory_space<vmem>>, vector<1x16xf32>,
        %parallel_loop3A_464 = vector.shape_cast %parallel_loop3A_463 : vector<1x16xf32> to vector<16xf32>
        %parallel_loop3A_465 = arith.addf %parallel_loop3A_459, %parallel_loop3A_464 : vector<16xf32>
        %parallel_loop3A_466 = arith.addf %parallel_loop3A_418, %parallel_loop3A_465 : vector<16xf32>
        %parallel_loop3A_467 = arith.addf %parallel_loop3A_371, %parallel_loop3A_466 : vector<16xf32>
        %parallel_loop3A_468 = arith.index_cast %parallel_loop3A_368 : i32 to index
        %parallel_loop3A_469 = tpu.vector_load %arg6[%parallel_loop3A_468] {strides = array<i32>} : memref<1024xf32, #tpu.memory_space<vmem>>, vector<16xf32>,
        %parallel_loop3A_470 = vector.shape_cast %parallel_loop3A_469 : vector<16xf32> to vector<16xf32>
        %parallel_loop3A_471 = vector.shape_cast %parallel_loop3A_467 : vector<16xf32> to vector<16xf32>
        tpu.vector_store %arg6[%parallel_loop3A_468], %parallel_loop3A_471 {strides = array<i32>} : memref<1024xf32, #tpu.memory_space<vmem>>, vector<16xf32>,
      } {sc.loop_unroll_factor = 2 : i64, sc.parallel_access}
      %add3A_337 = arith.constant 2 : i32
      %add3A_338 = arith.addi %add3A_329, %add3A_337 : i32
      %mul3A_339 = arith.constant 16 : i32
      %mul3A_340 = arith.muli %add3A_338, %mul3A_339 : i32
      %add3A_341 = arith.addi %add3A_37, %mul3A_340 : i32
      %dma_start3A_342 = arith.constant 0 : i32
      %dma_start3A_343 = tpu.memref_slice %arg2[%add3A_341, %dma_start3A_342] : memref<32768x1024xf32, #tpu.memory_space<hbm>> -> memref<16x1024xf32, #tpu.memory_space<hbm>>
      %dma_start3A_344 = arith.constant 0 : i32
      %dma_start3A_345 = tpu.memref_slice %arg2[%add3A_341, %dma_start3A_344] : memref<32768x1024xf32, #tpu.memory_space<hbm>> -> memref<16x1024xf32, #tpu.memory_space<hbm>>
      tpu.enqueue_dma source(%dma_start3A_345 : memref<16x1024xf32, #tpu.memory_space<hbm>>) target(%arg4 : memref<16x1024xf32, #tpu.memory_space<vmem>>) target_semaphore(%arg9 : memref<!tpu.dma_semaphore, #tpu.memory_space<semaphore_mem>>)
      %mul3A_346 = arith.constant 2 : i32
      %mul3A_347 = arith.muli %scan3A_325, %mul3A_346 : i32
      %add3A_348 = arith.constant 1 : i32
      %add3A_349 = arith.addi %mul3A_347, %add3A_348 : i32
      %dma_wait3A_350 = arith.constant 0 : i32
      %dma_wait3A_351 = tpu.memref_slice %arg2[%add3A_37, %dma_wait3A_350] : memref<32768x1024xf32, #tpu.memory_space<hbm>> -> memref<16x1024xf32, #tpu.memory_space<hbm>>
      %dma_wait3A_352 = arith.constant 0 : i32
      %dma_wait3A_353 = tpu.memref_slice %arg2[%add3A_37, %dma_wait3A_352] : memref<32768x1024xf32, #tpu.memory_space<hbm>> -> memref<16x1024xf32, #tpu.memory_space<hbm>>
      tpu.wait_dma2 semaphore(%arg10 : memref<!tpu.dma_semaphore, #tpu.memory_space<semaphore_mem>>) src(%dma_wait3A_353 : memref<16x1024xf32, #tpu.memory_space<hbm>>) dst(%arg5 : memref<16x1024xf32, #tpu.memory_space<vmem>>)
      %parallel_loop3A_354 = arith.constant 0 : i32
      %parallel_loop3A_355 = arith.constant 64 : i32
      %parallel_loop3A_356 = arith.constant 1 : i32
      scf.for %parallel_loop3A_366 = %parallel_loop3A_354 to %parallel_loop3A_355 step %parallel_loop3A_356  : i32 {
        %parallel_loop3A_367 = arith.constant 16 : i32
        %parallel_loop3A_368 = arith.muli %parallel_loop3A_366, %parallel_loop3A_367 : i32
        %parallel_loop3A_369 = arith.index_cast %parallel_loop3A_368 : i32 to index
        %parallel_loop3A_370 = tpu.vector_load %arg6[%parallel_loop3A_369] {strides = array<i32>} : memref<1024xf32, #tpu.memory_space<vmem>>, vector<16xf32>,
        %parallel_loop3A_371 = vector.shape_cast %parallel_loop3A_370 : vector<16xf32> to vector<16xf32>
        %parallel_loop3A_372 = arith.constant 0 : i32
        %parallel_loop3A_373 = arith.index_cast %parallel_loop3A_372 : i32 to index
        %parallel_loop3A_374 = arith.index_cast %parallel_loop3A_368 : i32 to index
        %parallel_loop3A_375 = tpu.vector_load %arg5[%parallel_loop3A_373, %parallel_loop3A_374] {strides = array<i32>} : memref<16x1024xf32, #tpu.memory_space<vmem>>, vector<1x16xf32>,
        %parallel_loop3A_376 = vector.shape_cast %parallel_loop3A_375 : vector<1x16xf32> to vector<16xf32>
        %parallel_loop3A_377 = arith.constant 1 : i32
        %parallel_loop3A_378 = arith.index_cast %parallel_loop3A_377 : i32 to index
        %parallel_loop3A_379 = arith.index_cast %parallel_loop3A_368 : i32 to index
        %parallel_loop3A_380 = tpu.vector_load %arg5[%parallel_loop3A_378, %parallel_loop3A_379] {strides = array<i32>} : memref<16x1024xf32, #tpu.memory_space<vmem>>, vector<1x16xf32>,
        %parallel_loop3A_381 = vector.shape_cast %parallel_loop3A_380 : vector<1x16xf32> to vector<16xf32>
        %parallel_loop3A_382 = arith.addf %parallel_loop3A_376, %parallel_loop3A_381 : vector<16xf32>
        %parallel_loop3A_383 = arith.constant 2 : i32
        %parallel_loop3A_384 = arith.index_cast %parallel_loop3A_383 : i32 to index
        %parallel_loop3A_385 = arith.index_cast %parallel_loop3A_368 : i32 to index
        %parallel_loop3A_386 = tpu.vector_load %arg5[%parallel_loop3A_384, %parallel_loop3A_385] {strides = array<i32>} : memref<16x1024xf32, #tpu.memory_space<vmem>>, vector<1x16xf32>,
        %parallel_loop3A_387 = vector.shape_cast %parallel_loop3A_386 : vector<1x16xf32> to vector<16xf32>
        %parallel_loop3A_388 = arith.addf %parallel_loop3A_382, %parallel_loop3A_387 : vector<16xf32>
        %parallel_loop3A_389 = arith.constant 3 : i32
        %parallel_loop3A_390 = arith.index_cast %parallel_loop3A_389 : i32 to index
        %parallel_loop3A_391 = arith.index_cast %parallel_loop3A_368 : i32 to index
        %parallel_loop3A_392 = tpu.vector_load %arg5[%parallel_loop3A_390, %parallel_loop3A_391] {strides = array<i32>} : memref<16x1024xf32, #tpu.memory_space<vmem>>, vector<1x16xf32>,
        %parallel_loop3A_393 = vector.shape_cast %parallel_loop3A_392 : vector<1x16xf32> to vector<16xf32>
        %parallel_loop3A_394 = arith.addf %parallel_loop3A_388, %parallel_loop3A_393 : vector<16xf32>
        %parallel_loop3A_395 = arith.constant 4 : i32
        %parallel_loop3A_396 = arith.index_cast %parallel_loop3A_395 : i32 to index
        %parallel_loop3A_397 = arith.index_cast %parallel_loop3A_368 : i32 to index
        %parallel_loop3A_398 = tpu.vector_load %arg5[%parallel_loop3A_396, %parallel_loop3A_397] {strides = array<i32>} : memref<16x1024xf32, #tpu.memory_space<vmem>>, vector<1x16xf32>,
        %parallel_loop3A_399 = vector.shape_cast %parallel_loop3A_398 : vector<1x16xf32> to vector<16xf32>
        %parallel_loop3A_400 = arith.addf %parallel_loop3A_394, %parallel_loop3A_399 : vector<16xf32>
        %parallel_loop3A_401 = arith.constant 5 : i32
        %parallel_loop3A_402 = arith.index_cast %parallel_loop3A_401 : i32 to index
        %parallel_loop3A_403 = arith.index_cast %parallel_loop3A_368 : i32 to index
        %parallel_loop3A_404 = tpu.vector_load %arg5[%parallel_loop3A_402, %parallel_loop3A_403] {strides = array<i32>} : memref<16x1024xf32, #tpu.memory_space<vmem>>, vector<1x16xf32>,
        %parallel_loop3A_405 = vector.shape_cast %parallel_loop3A_404 : vector<1x16xf32> to vector<16xf32>
        %parallel_loop3A_406 = arith.addf %parallel_loop3A_400, %parallel_loop3A_405 : vector<16xf32>
        %parallel_loop3A_407 = arith.constant 6 : i32
        %parallel_loop3A_408 = arith.index_cast %parallel_loop3A_407 : i32 to index
        %parallel_loop3A_409 = arith.index_cast %parallel_loop3A_368 : i32 to index
        %parallel_loop3A_410 = tpu.vector_load %arg5[%parallel_loop3A_408, %parallel_loop3A_409] {strides = array<i32>} : memref<16x1024xf32, #tpu.memory_space<vmem>>, vector<1x16xf32>,
        %parallel_loop3A_411 = vector.shape_cast %parallel_loop3A_410 : vector<1x16xf32> to vector<16xf32>
        %parallel_loop3A_412 = arith.addf %parallel_loop3A_406, %parallel_loop3A_411 : vector<16xf32>
        %parallel_loop3A_413 = arith.constant 7 : i32
        %parallel_loop3A_414 = arith.index_cast %parallel_loop3A_413 : i32 to index
        %parallel_loop3A_415 = arith.index_cast %parallel_loop3A_368 : i32 to index
        %parallel_loop3A_416 = tpu.vector_load %arg5[%parallel_loop3A_414, %parallel_loop3A_415] {strides = array<i32>} : memref<16x1024xf32, #tpu.memory_space<vmem>>, vector<1x16xf32>,
        %parallel_loop3A_417 = vector.shape_cast %parallel_loop3A_416 : vector<1x16xf32> to vector<16xf32>
        %parallel_loop3A_418 = arith.addf %parallel_loop3A_412, %parallel_loop3A_417 : vector<16xf32>
        %parallel_loop3A_419 = arith.constant 8 : i32
        %parallel_loop3A_420 = arith.index_cast %parallel_loop3A_419 : i32 to index
        %parallel_loop3A_421 = arith.index_cast %parallel_loop3A_368 : i32 to index
        %parallel_loop3A_422 = tpu.vector_load %arg5[%parallel_loop3A_420, %parallel_loop3A_421] {strides = array<i32>} : memref<16x1024xf32, #tpu.memory_space<vmem>>, vector<1x16xf32>,
        %parallel_loop3A_423 = vector.shape_cast %parallel_loop3A_422 : vector<1x16xf32> to vector<16xf32>
        %parallel_loop3A_424 = arith.constant 9 : i32
        %parallel_loop3A_425 = arith.index_cast %parallel_loop3A_424 : i32 to index
        %parallel_loop3A_426 = arith.index_cast %parallel_loop3A_368 : i32 to index
        %parallel_loop3A_427 = tpu.vector_load %arg5[%parallel_loop3A_425, %parallel_loop3A_426] {strides = array<i32>} : memref<16x1024xf32, #tpu.memory_space<vmem>>, vector<1x16xf32>,
        %parallel_loop3A_428 = vector.shape_cast %parallel_loop3A_427 : vector<1x16xf32> to vector<16xf32>
        %parallel_loop3A_429 = arith.addf %parallel_loop3A_423, %parallel_loop3A_428 : vector<16xf32>
        %parallel_loop3A_430 = arith.constant 10 : i32
        %parallel_loop3A_431 = arith.index_cast %parallel_loop3A_430 : i32 to index
        %parallel_loop3A_432 = arith.index_cast %parallel_loop3A_368 : i32 to index
        %parallel_loop3A_433 = tpu.vector_load %arg5[%parallel_loop3A_431, %parallel_loop3A_432] {strides = array<i32>} : memref<16x1024xf32, #tpu.memory_space<vmem>>, vector<1x16xf32>,
        %parallel_loop3A_434 = vector.shape_cast %parallel_loop3A_433 : vector<1x16xf32> to vector<16xf32>
        %parallel_loop3A_435 = arith.addf %parallel_loop3A_429, %parallel_loop3A_434 : vector<16xf32>
        %parallel_loop3A_436 = arith.constant 11 : i32
        %parallel_loop3A_437 = arith.index_cast %parallel_loop3A_436 : i32 to index
        %parallel_loop3A_438 = arith.index_cast %parallel_loop3A_368 : i32 to index
        %parallel_loop3A_439 = tpu.vector_load %arg5[%parallel_loop3A_437, %parallel_loop3A_438] {strides = array<i32>} : memref<16x1024xf32, #tpu.memory_space<vmem>>, vector<1x16xf32>,
        %parallel_loop3A_440 = vector.shape_cast %parallel_loop3A_439 : vector<1x16xf32> to vector<16xf32>
        %parallel_loop3A_441 = arith.addf %parallel_loop3A_435, %parallel_loop3A_440 : vector<16xf32>
        %parallel_loop3A_442 = arith.constant 12 : i32
        %parallel_loop3A_443 = arith.index_cast %parallel_loop3A_442 : i32 to index
        %parallel_loop3A_444 = arith.index_cast %parallel_loop3A_368 : i32 to index
        %parallel_loop3A_445 = tpu.vector_load %arg5[%parallel_loop3A_443, %parallel_loop3A_444] {strides = array<i32>} : memref<16x1024xf32, #tpu.memory_space<vmem>>, vector<1x16xf32>,
        %parallel_loop3A_446 = vector.shape_cast %parallel_loop3A_445 : vector<1x16xf32> to vector<16xf32>
        %parallel_loop3A_447 = arith.addf %parallel_loop3A_441, %parallel_loop3A_446 : vector<16xf32>
        %parallel_loop3A_448 = arith.constant 13 : i32
        %parallel_loop3A_449 = arith.index_cast %parallel_loop3A_448 : i32 to index
        %parallel_loop3A_450 = arith.index_cast %parallel_loop3A_368 : i32 to index
        %parallel_loop3A_451 = tpu.vector_load %arg5[%parallel_loop3A_449, %parallel_loop3A_450] {strides = array<i32>} : memref<16x1024xf32, #tpu.memory_space<vmem>>, vector<1x16xf32>,
        %parallel_loop3A_452 = vector.shape_cast %parallel_loop3A_451 : vector<1x16xf32> to vector<16xf32>
        %parallel_loop3A_453 = arith.addf %parallel_loop3A_447, %parallel_loop3A_452 : vector<16xf32>
        %parallel_loop3A_454 = arith.constant 14 : i32
        %parallel_loop3A_455 = arith.index_cast %parallel_loop3A_454 : i32 to index
        %parallel_loop3A_456 = arith.index_cast %parallel_loop3A_368 : i32 to index
        %parallel_loop3A_457 = tpu.vector_load %arg5[%parallel_loop3A_455, %parallel_loop3A_456] {strides = array<i32>} : memref<16x1024xf32, #tpu.memory_space<vmem>>, vector<1x16xf32>,
        %parallel_loop3A_458 = vector.shape_cast %parallel_loop3A_457 : vector<1x16xf32> to vector<16xf32>
        %parallel_loop3A_459 = arith.addf %parallel_loop3A_453, %parallel_loop3A_458 : vector<16xf32>
        %parallel_loop3A_460 = arith.constant 15 : i32
        %parallel_loop3A_461 = arith.index_cast %parallel_loop3A_460 : i32 to index
        %parallel_loop3A_462 = arith.index_cast %parallel_loop3A_368 : i32 to index
        %parallel_loop3A_463 = tpu.vector_load %arg5[%parallel_loop3A_461, %parallel_loop3A_462] {strides = array<i32>} : memref<16x1024xf32, #tpu.memory_space<vmem>>, vector<1x16xf32>,
        %parallel_loop3A_464 = vector.shape_cast %parallel_loop3A_463 : vector<1x16xf32> to vector<16xf32>
        %parallel_loop3A_465 = arith.addf %parallel_loop3A_459, %parallel_loop3A_464 : vector<16xf32>
        %parallel_loop3A_466 = arith.addf %parallel_loop3A_418, %parallel_loop3A_465 : vector<16xf32>
        %parallel_loop3A_467 = arith.addf %parallel_loop3A_371, %parallel_loop3A_466 : vector<16xf32>
        %parallel_loop3A_468 = arith.index_cast %parallel_loop3A_368 : i32 to index
        %parallel_loop3A_469 = tpu.vector_load %arg6[%parallel_loop3A_468] {strides = array<i32>} : memref<1024xf32, #tpu.memory_space<vmem>>, vector<16xf32>,
        %parallel_loop3A_470 = vector.shape_cast %parallel_loop3A_469 : vector<16xf32> to vector<16xf32>
        %parallel_loop3A_471 = vector.shape_cast %parallel_loop3A_467 : vector<16xf32> to vector<16xf32>
        tpu.vector_store %arg6[%parallel_loop3A_468], %parallel_loop3A_471 {strides = array<i32>} : memref<1024xf32, #tpu.memory_space<vmem>>, vector<16xf32>,
      } {sc.loop_unroll_factor = 2 : i64, sc.parallel_access}
      %add3A_357 = arith.constant 2 : i32
      %add3A_358 = arith.addi %add3A_349, %add3A_357 : i32
      %mul3A_359 = arith.constant 16 : i32
      %mul3A_360 = arith.muli %add3A_358, %mul3A_359 : i32
      %add3A_361 = arith.addi %add3A_37, %mul3A_360 : i32
      %dma_start3A_362 = arith.constant 0 : i32
      %dma_start3A_363 = tpu.memref_slice %arg2[%add3A_361, %dma_start3A_362] : memref<32768x1024xf32, #tpu.memory_space<hbm>> -> memref<16x1024xf32, #tpu.memory_space<hbm>>
      %dma_start3A_364 = arith.constant 0 : i32
      %dma_start3A_365 = tpu.memref_slice %arg2[%add3A_361, %dma_start3A_364] : memref<32768x1024xf32, #tpu.memory_space<hbm>> -> memref<16x1024xf32, #tpu.memory_space<hbm>>
      tpu.enqueue_dma source(%dma_start3A_365 : memref<16x1024xf32, #tpu.memory_space<hbm>>) target(%arg5 : memref<16x1024xf32, #tpu.memory_space<vmem>>) target_semaphore(%arg10 : memref<!tpu.dma_semaphore, #tpu.memory_space<semaphore_mem>>)
    }
    %scan3A_309 = arith.constant 11 : i32
    %dma_wait3A = arith.constant 0 : i32
    %dma_wait3A_310 = tpu.memref_slice %arg2[%add3A_37, %dma_wait3A] : memref<32768x1024xf32, #tpu.memory_space<hbm>> -> memref<16x1024xf32, #tpu.memory_space<hbm>>
    %dma_wait3A_311 = arith.constant 0 : i32
    %dma_wait3A_312 = tpu.memref_slice %arg2[%add3A_37, %dma_wait3A_311] : memref<32768x1024xf32, #tpu.memory_space<hbm>> -> memref<16x1024xf32, #tpu.memory_space<hbm>>
    tpu.wait_dma2 semaphore(%arg9 : memref<!tpu.dma_semaphore, #tpu.memory_space<semaphore_mem>>) src(%dma_wait3A_312 : memref<16x1024xf32, #tpu.memory_space<hbm>>) dst(%arg4 : memref<16x1024xf32, #tpu.memory_space<vmem>>)
    %parallel_loop3A = arith.constant 0 : i32
    %parallel_loop3A_313 = arith.constant 64 : i32
    %parallel_loop3A_314 = arith.constant 1 : i32
    scf.for %parallel_loop3A_325 = %parallel_loop3A to %parallel_loop3A_313 step %parallel_loop3A_314  : i32 {
      %parallel_loop3A_326 = arith.constant 16 : i32
      %parallel_loop3A_327 = arith.muli %parallel_loop3A_325, %parallel_loop3A_326 : i32
      %parallel_loop3A_328 = arith.index_cast %parallel_loop3A_327 : i32 to index
      %parallel_loop3A_329 = tpu.vector_load %arg6[%parallel_loop3A_328] {strides = array<i32>} : memref<1024xf32, #tpu.memory_space<vmem>>, vector<16xf32>,
      %parallel_loop3A_330 = vector.shape_cast %parallel_loop3A_329 : vector<16xf32> to vector<16xf32>
      %parallel_loop3A_331 = arith.constant 0 : i32
      %parallel_loop3A_332 = arith.index_cast %parallel_loop3A_331 : i32 to index
      %parallel_loop3A_333 = arith.index_cast %parallel_loop3A_327 : i32 to index
      %parallel_loop3A_334 = tpu.vector_load %arg4[%parallel_loop3A_332, %parallel_loop3A_333] {strides = array<i32>} : memref<16x1024xf32, #tpu.memory_space<vmem>>, vector<1x16xf32>,
      %parallel_loop3A_335 = vector.shape_cast %parallel_loop3A_334 : vector<1x16xf32> to vector<16xf32>
      %parallel_loop3A_336 = arith.constant 1 : i32
      %parallel_loop3A_337 = arith.index_cast %parallel_loop3A_336 : i32 to index
      %parallel_loop3A_338 = arith.index_cast %parallel_loop3A_327 : i32 to index
      %parallel_loop3A_339 = tpu.vector_load %arg4[%parallel_loop3A_337, %parallel_loop3A_338] {strides = array<i32>} : memref<16x1024xf32, #tpu.memory_space<vmem>>, vector<1x16xf32>,
      %parallel_loop3A_340 = vector.shape_cast %parallel_loop3A_339 : vector<1x16xf32> to vector<16xf32>
      %parallel_loop3A_341 = arith.addf %parallel_loop3A_335, %parallel_loop3A_340 : vector<16xf32>
      %parallel_loop3A_342 = arith.constant 2 : i32
      %parallel_loop3A_343 = arith.index_cast %parallel_loop3A_342 : i32 to index
      %parallel_loop3A_344 = arith.index_cast %parallel_loop3A_327 : i32 to index
      %parallel_loop3A_345 = tpu.vector_load %arg4[%parallel_loop3A_343, %parallel_loop3A_344] {strides = array<i32>} : memref<16x1024xf32, #tpu.memory_space<vmem>>, vector<1x16xf32>,
      %parallel_loop3A_346 = vector.shape_cast %parallel_loop3A_345 : vector<1x16xf32> to vector<16xf32>
      %parallel_loop3A_347 = arith.addf %parallel_loop3A_341, %parallel_loop3A_346 : vector<16xf32>
      %parallel_loop3A_348 = arith.constant 3 : i32
      %parallel_loop3A_349 = arith.index_cast %parallel_loop3A_348 : i32 to index
      %parallel_loop3A_350 = arith.index_cast %parallel_loop3A_327 : i32 to index
      %parallel_loop3A_351 = tpu.vector_load %arg4[%parallel_loop3A_349, %parallel_loop3A_350] {strides = array<i32>} : memref<16x1024xf32, #tpu.memory_space<vmem>>, vector<1x16xf32>,
      %parallel_loop3A_352 = vector.shape_cast %parallel_loop3A_351 : vector<1x16xf32> to vector<16xf32>
      %parallel_loop3A_353 = arith.addf %parallel_loop3A_347, %parallel_loop3A_352 : vector<16xf32>
      %parallel_loop3A_354 = arith.constant 4 : i32
      %parallel_loop3A_355 = arith.index_cast %parallel_loop3A_354 : i32 to index
      %parallel_loop3A_356 = arith.index_cast %parallel_loop3A_327 : i32 to index
      %parallel_loop3A_357 = tpu.vector_load %arg4[%parallel_loop3A_355, %parallel_loop3A_356] {strides = array<i32>} : memref<16x1024xf32, #tpu.memory_space<vmem>>, vector<1x16xf32>,
      %parallel_loop3A_358 = vector.shape_cast %parallel_loop3A_357 : vector<1x16xf32> to vector<16xf32>
      %parallel_loop3A_359 = arith.addf %parallel_loop3A_353, %parallel_loop3A_358 : vector<16xf32>
      %parallel_loop3A_360 = arith.constant 5 : i32
      %parallel_loop3A_361 = arith.index_cast %parallel_loop3A_360 : i32 to index
      %parallel_loop3A_362 = arith.index_cast %parallel_loop3A_327 : i32 to index
      %parallel_loop3A_363 = tpu.vector_load %arg4[%parallel_loop3A_361, %parallel_loop3A_362] {strides = array<i32>} : memref<16x1024xf32, #tpu.memory_space<vmem>>, vector<1x16xf32>,
      %parallel_loop3A_364 = vector.shape_cast %parallel_loop3A_363 : vector<1x16xf32> to vector<16xf32>
      %parallel_loop3A_365 = arith.addf %parallel_loop3A_359, %parallel_loop3A_364 : vector<16xf32>
      %parallel_loop3A_366 = arith.constant 6 : i32
      %parallel_loop3A_367 = arith.index_cast %parallel_loop3A_366 : i32 to index
      %parallel_loop3A_368 = arith.index_cast %parallel_loop3A_327 : i32 to index
      %parallel_loop3A_369 = tpu.vector_load %arg4[%parallel_loop3A_367, %parallel_loop3A_368] {strides = array<i32>} : memref<16x1024xf32, #tpu.memory_space<vmem>>, vector<1x16xf32>,
      %parallel_loop3A_370 = vector.shape_cast %parallel_loop3A_369 : vector<1x16xf32> to vector<16xf32>
      %parallel_loop3A_371 = arith.addf %parallel_loop3A_365, %parallel_loop3A_370 : vector<16xf32>
      %parallel_loop3A_372 = arith.constant 7 : i32
      %parallel_loop3A_373 = arith.index_cast %parallel_loop3A_372 : i32 to index
      %parallel_loop3A_374 = arith.index_cast %parallel_loop3A_327 : i32 to index
      %parallel_loop3A_375 = tpu.vector_load %arg4[%parallel_loop3A_373, %parallel_loop3A_374] {strides = array<i32>} : memref<16x1024xf32, #tpu.memory_space<vmem>>, vector<1x16xf32>,
      %parallel_loop3A_376 = vector.shape_cast %parallel_loop3A_375 : vector<1x16xf32> to vector<16xf32>
      %parallel_loop3A_377 = arith.addf %parallel_loop3A_371, %parallel_loop3A_376 : vector<16xf32>
      %parallel_loop3A_378 = arith.constant 8 : i32
      %parallel_loop3A_379 = arith.index_cast %parallel_loop3A_378 : i32 to index
      %parallel_loop3A_380 = arith.index_cast %parallel_loop3A_327 : i32 to index
      %parallel_loop3A_381 = tpu.vector_load %arg4[%parallel_loop3A_379, %parallel_loop3A_380] {strides = array<i32>} : memref<16x1024xf32, #tpu.memory_space<vmem>>, vector<1x16xf32>,
      %parallel_loop3A_382 = vector.shape_cast %parallel_loop3A_381 : vector<1x16xf32> to vector<16xf32>
      %parallel_loop3A_383 = arith.constant 9 : i32
      %parallel_loop3A_384 = arith.index_cast %parallel_loop3A_383 : i32 to index
      %parallel_loop3A_385 = arith.index_cast %parallel_loop3A_327 : i32 to index
      %parallel_loop3A_386 = tpu.vector_load %arg4[%parallel_loop3A_384, %parallel_loop3A_385] {strides = array<i32>} : memref<16x1024xf32, #tpu.memory_space<vmem>>, vector<1x16xf32>,
      %parallel_loop3A_387 = vector.shape_cast %parallel_loop3A_386 : vector<1x16xf32> to vector<16xf32>
      %parallel_loop3A_388 = arith.addf %parallel_loop3A_382, %parallel_loop3A_387 : vector<16xf32>
      %parallel_loop3A_389 = arith.constant 10 : i32
      %parallel_loop3A_390 = arith.index_cast %parallel_loop3A_389 : i32 to index
      %parallel_loop3A_391 = arith.index_cast %parallel_loop3A_327 : i32 to index
      %parallel_loop3A_392 = tpu.vector_load %arg4[%parallel_loop3A_390, %parallel_loop3A_391] {strides = array<i32>} : memref<16x1024xf32, #tpu.memory_space<vmem>>, vector<1x16xf32>,
      %parallel_loop3A_393 = vector.shape_cast %parallel_loop3A_392 : vector<1x16xf32> to vector<16xf32>
      %parallel_loop3A_394 = arith.addf %parallel_loop3A_388, %parallel_loop3A_393 : vector<16xf32>
      %parallel_loop3A_395 = arith.constant 11 : i32
      %parallel_loop3A_396 = arith.index_cast %parallel_loop3A_395 : i32 to index
      %parallel_loop3A_397 = arith.index_cast %parallel_loop3A_327 : i32 to index
      %parallel_loop3A_398 = tpu.vector_load %arg4[%parallel_loop3A_396, %parallel_loop3A_397] {strides = array<i32>} : memref<16x1024xf32, #tpu.memory_space<vmem>>, vector<1x16xf32>,
      %parallel_loop3A_399 = vector.shape_cast %parallel_loop3A_398 : vector<1x16xf32> to vector<16xf32>
      %parallel_loop3A_400 = arith.addf %parallel_loop3A_394, %parallel_loop3A_399 : vector<16xf32>
      %parallel_loop3A_401 = arith.constant 12 : i32
      %parallel_loop3A_402 = arith.index_cast %parallel_loop3A_401 : i32 to index
      %parallel_loop3A_403 = arith.index_cast %parallel_loop3A_327 : i32 to index
      %parallel_loop3A_404 = tpu.vector_load %arg4[%parallel_loop3A_402, %parallel_loop3A_403] {strides = array<i32>} : memref<16x1024xf32, #tpu.memory_space<vmem>>, vector<1x16xf32>,
      %parallel_loop3A_405 = vector.shape_cast %parallel_loop3A_404 : vector<1x16xf32> to vector<16xf32>
      %parallel_loop3A_406 = arith.addf %parallel_loop3A_400, %parallel_loop3A_405 : vector<16xf32>
      %parallel_loop3A_407 = arith.constant 13 : i32
      %parallel_loop3A_408 = arith.index_cast %parallel_loop3A_407 : i32 to index
      %parallel_loop3A_409 = arith.index_cast %parallel_loop3A_327 : i32 to index
      %parallel_loop3A_410 = tpu.vector_load %arg4[%parallel_loop3A_408, %parallel_loop3A_409] {strides = array<i32>} : memref<16x1024xf32, #tpu.memory_space<vmem>>, vector<1x16xf32>,
      %parallel_loop3A_411 = vector.shape_cast %parallel_loop3A_410 : vector<1x16xf32> to vector<16xf32>
      %parallel_loop3A_412 = arith.addf %parallel_loop3A_406, %parallel_loop3A_411 : vector<16xf32>
      %parallel_loop3A_413 = arith.constant 14 : i32
      %parallel_loop3A_414 = arith.index_cast %parallel_loop3A_413 : i32 to index
      %parallel_loop3A_415 = arith.index_cast %parallel_loop3A_327 : i32 to index
      %parallel_loop3A_416 = tpu.vector_load %arg4[%parallel_loop3A_414, %parallel_loop3A_415] {strides = array<i32>} : memref<16x1024xf32, #tpu.memory_space<vmem>>, vector<1x16xf32>,
      %parallel_loop3A_417 = vector.shape_cast %parallel_loop3A_416 : vector<1x16xf32> to vector<16xf32>
      %parallel_loop3A_418 = arith.addf %parallel_loop3A_412, %parallel_loop3A_417 : vector<16xf32>
      %parallel_loop3A_419 = arith.constant 15 : i32
      %parallel_loop3A_420 = arith.index_cast %parallel_loop3A_419 : i32 to index
      %parallel_loop3A_421 = arith.index_cast %parallel_loop3A_327 : i32 to index
      %parallel_loop3A_422 = tpu.vector_load %arg4[%parallel_loop3A_420, %parallel_loop3A_421] {strides = array<i32>} : memref<16x1024xf32, #tpu.memory_space<vmem>>, vector<1x16xf32>,
      %parallel_loop3A_423 = vector.shape_cast %parallel_loop3A_422 : vector<1x16xf32> to vector<16xf32>
      %parallel_loop3A_424 = arith.addf %parallel_loop3A_418, %parallel_loop3A_423 : vector<16xf32>
      %parallel_loop3A_425 = arith.addf %parallel_loop3A_377, %parallel_loop3A_424 : vector<16xf32>
      %parallel_loop3A_426 = arith.addf %parallel_loop3A_330, %parallel_loop3A_425 : vector<16xf32>
      %parallel_loop3A_427 = arith.index_cast %parallel_loop3A_327 : i32 to index
      %parallel_loop3A_428 = tpu.vector_load %arg6[%parallel_loop3A_427] {strides = array<i32>} : memref<1024xf32, #tpu.memory_space<vmem>>, vector<16xf32>,
      %parallel_loop3A_429 = vector.shape_cast %parallel_loop3A_428 : vector<16xf32> to vector<16xf32>
      %parallel_loop3A_430 = vector.shape_cast %parallel_loop3A_426 : vector<16xf32> to vector<16xf32>
      tpu.vector_store %arg6[%parallel_loop3A_427], %parallel_loop3A_430 {strides = array<i32>} : memref<1024xf32, #tpu.memory_space<vmem>>, vector<16xf32>,
    } {sc.loop_unroll_factor = 2 : i64, sc.parallel_access}
    %dma_wait3A_315 = arith.constant 0 : i32
    %dma_wait3A_316 = tpu.memref_slice %arg2[%add3A_37, %dma_wait3A_315] : memref<32768x1024xf32, #tpu.memory_space<hbm>> -> memref<16x1024xf32, #tpu.memory_space<hbm>>
    %dma_wait3A_317 = arith.constant 0 : i32
    %dma_wait3A_318 = tpu.memref_slice %arg2[%add3A_37, %dma_wait3A_317] : memref<32768x1024xf32, #tpu.memory_space<hbm>> -> memref<16x1024xf32, #tpu.memory_space<hbm>>
    tpu.wait_dma2 semaphore(%arg10 : memref<!tpu.dma_semaphore, #tpu.memory_space<semaphore_mem>>) src(%dma_wait3A_318 : memref<16x1024xf32, #tpu.memory_space<hbm>>) dst(%arg5 : memref<16x1024xf32, #tpu.memory_space<vmem>>)
    %parallel_loop3A_319 = arith.constant 0 : i32
    %parallel_loop3A_320 = arith.constant 64 : i32
    %parallel_loop3A_321 = arith.constant 1 : i32
    scf.for %parallel_loop3A_325 = %parallel_loop3A_319 to %parallel_loop3A_320 step %parallel_loop3A_321  : i32 {
      %parallel_loop3A_326 = arith.constant 16 : i32
      %parallel_loop3A_327 = arith.muli %parallel_loop3A_325, %parallel_loop3A_326 : i32
      %parallel_loop3A_328 = arith.index_cast %parallel_loop3A_327 : i32 to index
      %parallel_loop3A_329 = tpu.vector_load %arg6[%parallel_loop3A_328] {strides = array<i32>} : memref<1024xf32, #tpu.memory_space<vmem>>, vector<16xf32>,
      %parallel_loop3A_330 = vector.shape_cast %parallel_loop3A_329 : vector<16xf32> to vector<16xf32>
      %parallel_loop3A_331 = arith.constant 0 : i32
      %parallel_loop3A_332 = arith.index_cast %parallel_loop3A_331 : i32 to index
      %parallel_loop3A_333 = arith.index_cast %parallel_loop3A_327 : i32 to index
      %parallel_loop3A_334 = tpu.vector_load %arg5[%parallel_loop3A_332, %parallel_loop3A_333] {strides = array<i32>} : memref<16x1024xf32, #tpu.memory_space<vmem>>, vector<1x16xf32>,
      %parallel_loop3A_335 = vector.shape_cast %parallel_loop3A_334 : vector<1x16xf32> to vector<16xf32>
      %parallel_loop3A_336 = arith.constant 1 : i32
      %parallel_loop3A_337 = arith.index_cast %parallel_loop3A_336 : i32 to index
      %parallel_loop3A_338 = arith.index_cast %parallel_loop3A_327 : i32 to index
      %parallel_loop3A_339 = tpu.vector_load %arg5[%parallel_loop3A_337, %parallel_loop3A_338] {strides = array<i32>} : memref<16x1024xf32, #tpu.memory_space<vmem>>, vector<1x16xf32>,
      %parallel_loop3A_340 = vector.shape_cast %parallel_loop3A_339 : vector<1x16xf32> to vector<16xf32>
      %parallel_loop3A_341 = arith.addf %parallel_loop3A_335, %parallel_loop3A_340 : vector<16xf32>
      %parallel_loop3A_342 = arith.constant 2 : i32
      %parallel_loop3A_343 = arith.index_cast %parallel_loop3A_342 : i32 to index
      %parallel_loop3A_344 = arith.index_cast %parallel_loop3A_327 : i32 to index
      %parallel_loop3A_345 = tpu.vector_load %arg5[%parallel_loop3A_343, %parallel_loop3A_344] {strides = array<i32>} : memref<16x1024xf32, #tpu.memory_space<vmem>>, vector<1x16xf32>,
      %parallel_loop3A_346 = vector.shape_cast %parallel_loop3A_345 : vector<1x16xf32> to vector<16xf32>
      %parallel_loop3A_347 = arith.addf %parallel_loop3A_341, %parallel_loop3A_346 : vector<16xf32>
      %parallel_loop3A_348 = arith.constant 3 : i32
      %parallel_loop3A_349 = arith.index_cast %parallel_loop3A_348 : i32 to index
      %parallel_loop3A_350 = arith.index_cast %parallel_loop3A_327 : i32 to index
      %parallel_loop3A_351 = tpu.vector_load %arg5[%parallel_loop3A_349, %parallel_loop3A_350] {strides = array<i32>} : memref<16x1024xf32, #tpu.memory_space<vmem>>, vector<1x16xf32>,
      %parallel_loop3A_352 = vector.shape_cast %parallel_loop3A_351 : vector<1x16xf32> to vector<16xf32>
      %parallel_loop3A_353 = arith.addf %parallel_loop3A_347, %parallel_loop3A_352 : vector<16xf32>
      %parallel_loop3A_354 = arith.constant 4 : i32
      %parallel_loop3A_355 = arith.index_cast %parallel_loop3A_354 : i32 to index
      %parallel_loop3A_356 = arith.index_cast %parallel_loop3A_327 : i32 to index
      %parallel_loop3A_357 = tpu.vector_load %arg5[%parallel_loop3A_355, %parallel_loop3A_356] {strides = array<i32>} : memref<16x1024xf32, #tpu.memory_space<vmem>>, vector<1x16xf32>,
      %parallel_loop3A_358 = vector.shape_cast %parallel_loop3A_357 : vector<1x16xf32> to vector<16xf32>
      %parallel_loop3A_359 = arith.addf %parallel_loop3A_353, %parallel_loop3A_358 : vector<16xf32>
      %parallel_loop3A_360 = arith.constant 5 : i32
      %parallel_loop3A_361 = arith.index_cast %parallel_loop3A_360 : i32 to index
      %parallel_loop3A_362 = arith.index_cast %parallel_loop3A_327 : i32 to index
      %parallel_loop3A_363 = tpu.vector_load %arg5[%parallel_loop3A_361, %parallel_loop3A_362] {strides = array<i32>} : memref<16x1024xf32, #tpu.memory_space<vmem>>, vector<1x16xf32>,
      %parallel_loop3A_364 = vector.shape_cast %parallel_loop3A_363 : vector<1x16xf32> to vector<16xf32>
      %parallel_loop3A_365 = arith.addf %parallel_loop3A_359, %parallel_loop3A_364 : vector<16xf32>
      %parallel_loop3A_366 = arith.constant 6 : i32
      %parallel_loop3A_367 = arith.index_cast %parallel_loop3A_366 : i32 to index
      %parallel_loop3A_368 = arith.index_cast %parallel_loop3A_327 : i32 to index
      %parallel_loop3A_369 = tpu.vector_load %arg5[%parallel_loop3A_367, %parallel_loop3A_368] {strides = array<i32>} : memref<16x1024xf32, #tpu.memory_space<vmem>>, vector<1x16xf32>,
      %parallel_loop3A_370 = vector.shape_cast %parallel_loop3A_369 : vector<1x16xf32> to vector<16xf32>
      %parallel_loop3A_371 = arith.addf %parallel_loop3A_365, %parallel_loop3A_370 : vector<16xf32>
      %parallel_loop3A_372 = arith.constant 7 : i32
      %parallel_loop3A_373 = arith.index_cast %parallel_loop3A_372 : i32 to index
      %parallel_loop3A_374 = arith.index_cast %parallel_loop3A_327 : i32 to index
      %parallel_loop3A_375 = tpu.vector_load %arg5[%parallel_loop3A_373, %parallel_loop3A_374] {strides = array<i32>} : memref<16x1024xf32, #tpu.memory_space<vmem>>, vector<1x16xf32>,
      %parallel_loop3A_376 = vector.shape_cast %parallel_loop3A_375 : vector<1x16xf32> to vector<16xf32>
      %parallel_loop3A_377 = arith.addf %parallel_loop3A_371, %parallel_loop3A_376 : vector<16xf32>
      %parallel_loop3A_378 = arith.constant 8 : i32
      %parallel_loop3A_379 = arith.index_cast %parallel_loop3A_378 : i32 to index
      %parallel_loop3A_380 = arith.index_cast %parallel_loop3A_327 : i32 to index
      %parallel_loop3A_381 = tpu.vector_load %arg5[%parallel_loop3A_379, %parallel_loop3A_380] {strides = array<i32>} : memref<16x1024xf32, #tpu.memory_space<vmem>>, vector<1x16xf32>,
      %parallel_loop3A_382 = vector.shape_cast %parallel_loop3A_381 : vector<1x16xf32> to vector<16xf32>
      %parallel_loop3A_383 = arith.constant 9 : i32
      %parallel_loop3A_384 = arith.index_cast %parallel_loop3A_383 : i32 to index
      %parallel_loop3A_385 = arith.index_cast %parallel_loop3A_327 : i32 to index
      %parallel_loop3A_386 = tpu.vector_load %arg5[%parallel_loop3A_384, %parallel_loop3A_385] {strides = array<i32>} : memref<16x1024xf32, #tpu.memory_space<vmem>>, vector<1x16xf32>,
      %parallel_loop3A_387 = vector.shape_cast %parallel_loop3A_386 : vector<1x16xf32> to vector<16xf32>
      %parallel_loop3A_388 = arith.addf %parallel_loop3A_382, %parallel_loop3A_387 : vector<16xf32>
      %parallel_loop3A_389 = arith.constant 10 : i32
      %parallel_loop3A_390 = arith.index_cast %parallel_loop3A_389 : i32 to index
      %parallel_loop3A_391 = arith.index_cast %parallel_loop3A_327 : i32 to index
      %parallel_loop3A_392 = tpu.vector_load %arg5[%parallel_loop3A_390, %parallel_loop3A_391] {strides = array<i32>} : memref<16x1024xf32, #tpu.memory_space<vmem>>, vector<1x16xf32>,
      %parallel_loop3A_393 = vector.shape_cast %parallel_loop3A_392 : vector<1x16xf32> to vector<16xf32>
      %parallel_loop3A_394 = arith.addf %parallel_loop3A_388, %parallel_loop3A_393 : vector<16xf32>
      %parallel_loop3A_395 = arith.constant 11 : i32
      %parallel_loop3A_396 = arith.index_cast %parallel_loop3A_395 : i32 to index
      %parallel_loop3A_397 = arith.index_cast %parallel_loop3A_327 : i32 to index
      %parallel_loop3A_398 = tpu.vector_load %arg5[%parallel_loop3A_396, %parallel_loop3A_397] {strides = array<i32>} : memref<16x1024xf32, #tpu.memory_space<vmem>>, vector<1x16xf32>,
      %parallel_loop3A_399 = vector.shape_cast %parallel_loop3A_398 : vector<1x16xf32> to vector<16xf32>
      %parallel_loop3A_400 = arith.addf %parallel_loop3A_394, %parallel_loop3A_399 : vector<16xf32>
      %parallel_loop3A_401 = arith.constant 12 : i32
      %parallel_loop3A_402 = arith.index_cast %parallel_loop3A_401 : i32 to index
      %parallel_loop3A_403 = arith.index_cast %parallel_loop3A_327 : i32 to index
      %parallel_loop3A_404 = tpu.vector_load %arg5[%parallel_loop3A_402, %parallel_loop3A_403] {strides = array<i32>} : memref<16x1024xf32, #tpu.memory_space<vmem>>, vector<1x16xf32>,
      %parallel_loop3A_405 = vector.shape_cast %parallel_loop3A_404 : vector<1x16xf32> to vector<16xf32>
      %parallel_loop3A_406 = arith.addf %parallel_loop3A_400, %parallel_loop3A_405 : vector<16xf32>
      %parallel_loop3A_407 = arith.constant 13 : i32
      %parallel_loop3A_408 = arith.index_cast %parallel_loop3A_407 : i32 to index
      %parallel_loop3A_409 = arith.index_cast %parallel_loop3A_327 : i32 to index
      %parallel_loop3A_410 = tpu.vector_load %arg5[%parallel_loop3A_408, %parallel_loop3A_409] {strides = array<i32>} : memref<16x1024xf32, #tpu.memory_space<vmem>>, vector<1x16xf32>,
      %parallel_loop3A_411 = vector.shape_cast %parallel_loop3A_410 : vector<1x16xf32> to vector<16xf32>
      %parallel_loop3A_412 = arith.addf %parallel_loop3A_406, %parallel_loop3A_411 : vector<16xf32>
      %parallel_loop3A_413 = arith.constant 14 : i32
      %parallel_loop3A_414 = arith.index_cast %parallel_loop3A_413 : i32 to index
      %parallel_loop3A_415 = arith.index_cast %parallel_loop3A_327 : i32 to index
      %parallel_loop3A_416 = tpu.vector_load %arg5[%parallel_loop3A_414, %parallel_loop3A_415] {strides = array<i32>} : memref<16x1024xf32, #tpu.memory_space<vmem>>, vector<1x16xf32>,
      %parallel_loop3A_417 = vector.shape_cast %parallel_loop3A_416 : vector<1x16xf32> to vector<16xf32>
      %parallel_loop3A_418 = arith.addf %parallel_loop3A_412, %parallel_loop3A_417 : vector<16xf32>
      %parallel_loop3A_419 = arith.constant 15 : i32
      %parallel_loop3A_420 = arith.index_cast %parallel_loop3A_419 : i32 to index
      %parallel_loop3A_421 = arith.index_cast %parallel_loop3A_327 : i32 to index
      %parallel_loop3A_422 = tpu.vector_load %arg5[%parallel_loop3A_420, %parallel_loop3A_421] {strides = array<i32>} : memref<16x1024xf32, #tpu.memory_space<vmem>>, vector<1x16xf32>,
      %parallel_loop3A_423 = vector.shape_cast %parallel_loop3A_422 : vector<1x16xf32> to vector<16xf32>
      %parallel_loop3A_424 = arith.addf %parallel_loop3A_418, %parallel_loop3A_423 : vector<16xf32>
      %parallel_loop3A_425 = arith.addf %parallel_loop3A_377, %parallel_loop3A_424 : vector<16xf32>
      %parallel_loop3A_426 = arith.addf %parallel_loop3A_330, %parallel_loop3A_425 : vector<16xf32>
      %parallel_loop3A_427 = arith.index_cast %parallel_loop3A_327 : i32 to index
      %parallel_loop3A_428 = tpu.vector_load %arg6[%parallel_loop3A_427] {strides = array<i32>} : memref<1024xf32, #tpu.memory_space<vmem>>, vector<16xf32>,
      %parallel_loop3A_429 = vector.shape_cast %parallel_loop3A_428 : vector<16xf32> to vector<16xf32>
      %parallel_loop3A_430 = vector.shape_cast %parallel_loop3A_426 : vector<16xf32> to vector<16xf32>
      tpu.vector_store %arg6[%parallel_loop3A_427], %parallel_loop3A_430 {strides = array<i32>} : memref<1024xf32, #tpu.memory_space<vmem>>, vector<16xf32>,
    } {sc.loop_unroll_factor = 2 : i64, sc.parallel_access}
    "tpu.region"() ({
      %run_scoped3A = tpu.sem_alloc : memref<!tpu.dma_semaphore, #tpu.memory_space<semaphore_mem>>
      %dma_start3A_325 = arith.constant 0 : i32
      %dma_start3A_326 = tpu.memref_slice %arg8[%arg1, %dma_start3A_325] : memref<16x1024xf32, #tpu.memory_space<vmem_shared>> -> memref<1x1024xf32, #tpu.memory_space<vmem_shared>>
      %dma_start3A_327 = tpu.memref_squeeze %dma_start3A_326 : memref<1x1024xf32, #tpu.memory_space<vmem_shared>> -> memref<1024xf32, #tpu.memory_space<vmem_shared>>
      %dma_start3A_328 = arith.constant 0 : i32
      %dma_start3A_329 = tpu.memref_slice %arg8[%arg1, %dma_start3A_328] : memref<16x1024xf32, #tpu.memory_space<vmem_shared>> -> memref<1x1024xf32, #tpu.memory_space<vmem_shared>>
      %dma_start3A_330 = tpu.memref_squeeze %dma_start3A_329 : memref<1x1024xf32, #tpu.memory_space<vmem_shared>> -> memref<1024xf32, #tpu.memory_space<vmem_shared>>
      tpu.enqueue_dma source(%arg6 : memref<1024xf32, #tpu.memory_space<vmem>>) target(%dma_start3A_330 : memref<1024xf32, #tpu.memory_space<vmem_shared>>) target_semaphore(%run_scoped3A : memref<!tpu.dma_semaphore, #tpu.memory_space<semaphore_mem>>)
      %dma_wait3A_331 = arith.constant 0 : i32
      %dma_wait3A_332 = tpu.memref_slice %arg8[%arg1, %dma_wait3A_331] : memref<16x1024xf32, #tpu.memory_space<vmem_shared>> -> memref<1x1024xf32, #tpu.memory_space<vmem_shared>>
      %dma_wait3A_333 = tpu.memref_squeeze %dma_wait3A_332 : memref<1x1024xf32, #tpu.memory_space<vmem_shared>> -> memref<1024xf32, #tpu.memory_space<vmem_shared>>
      %dma_wait3A_334 = arith.constant 0 : i32
      %dma_wait3A_335 = tpu.memref_slice %arg8[%arg1, %dma_wait3A_334] : memref<16x1024xf32, #tpu.memory_space<vmem_shared>> -> memref<1x1024xf32, #tpu.memory_space<vmem_shared>>
      %dma_wait3A_336 = tpu.memref_squeeze %dma_wait3A_335 : memref<1x1024xf32, #tpu.memory_space<vmem_shared>> -> memref<1024xf32, #tpu.memory_space<vmem_shared>>
      tpu.wait_dma2 semaphore(%run_scoped3A : memref<!tpu.dma_semaphore, #tpu.memory_space<semaphore_mem>>) src(%arg6 : memref<1024xf32, #tpu.memory_space<vmem>>) dst(%dma_wait3A_336 : memref<1024xf32, #tpu.memory_space<vmem_shared>>)
      tpu.yield
    }) : () -> ()
    %barrier3A = arith.constant 0 : index
    tpu.barrier barrier_id(%barrier3A)
    %eq3A_322 = arith.constant 0 : i32
    %eq3A_323 = arith.cmpi eq, %select_n3A_30, %eq3A_322 : i32
    %convert_element_type3A = arith.extui %eq3A_323 : i1 to i32
    %cond3A = arith.constant 0 : i32
    %cond3A_324 = arith.cmpi ne, %convert_element_type3A, %cond3A : i32
    scf.if %cond3A_324 {
      %add3A_325 = arith.constant 1 : i32
      %add3A_326 = arith.addi %arg1, %add3A_325 : i32
      "tpu.region"() ({
        %run_scoped3A = tpu.sem_alloc : memref<!tpu.dma_semaphore, #tpu.memory_space<semaphore_mem>>
        %dma_start3A_342 = arith.constant 0 : i32
        %dma_start3A_343 = tpu.memref_slice %arg8[%add3A_326, %dma_start3A_342] : memref<16x1024xf32, #tpu.memory_space<vmem_shared>> -> memref<1x1024xf32, #tpu.memory_space<vmem_shared>>
        %dma_start3A_344 = tpu.memref_squeeze %dma_start3A_343 : memref<1x1024xf32, #tpu.memory_space<vmem_shared>> -> memref<1024xf32, #tpu.memory_space<vmem_shared>>
        %dma_start3A_345 = arith.constant 0 : i32
        %dma_start3A_346 = tpu.memref_slice %arg8[%add3A_326, %dma_start3A_345] : memref<16x1024xf32, #tpu.memory_space<vmem_shared>> -> memref<1x1024xf32, #tpu.memory_space<vmem_shared>>
        %dma_start3A_347 = tpu.memref_squeeze %dma_start3A_346 : memref<1x1024xf32, #tpu.memory_space<vmem_shared>> -> memref<1024xf32, #tpu.memory_space<vmem_shared>>
        tpu.enqueue_dma source(%dma_start3A_347 : memref<1024xf32, #tpu.memory_space<vmem_shared>>) target(%arg7 : memref<1024xf32, #tpu.memory_space<vmem>>) target_semaphore(%run_scoped3A : memref<!tpu.dma_semaphore, #tpu.memory_space<semaphore_mem>>)
        %dma_wait3A_348 = arith.constant 0 : i32
        %dma_wait3A_349 = tpu.memref_slice %arg8[%add3A_326, %dma_wait3A_348] : memref<16x1024xf32, #tpu.memory_space<vmem_shared>> -> memref<1x1024xf32, #tpu.memory_space<vmem_shared>>
        %dma_wait3A_350 = tpu.memref_squeeze %dma_wait3A_349 : memref<1x1024xf32, #tpu.memory_space<vmem_shared>> -> memref<1024xf32, #tpu.memory_space<vmem_shared>>
        %dma_wait3A_351 = arith.constant 0 : i32
        %dma_wait3A_352 = tpu.memref_slice %arg8[%add3A_326, %dma_wait3A_351] : memref<16x1024xf32, #tpu.memory_space<vmem_shared>> -> memref<1x1024xf32, #tpu.memory_space<vmem_shared>>
        %dma_wait3A_353 = tpu.memref_squeeze %dma_wait3A_352 : memref<1x1024xf32, #tpu.memory_space<vmem_shared>> -> memref<1024xf32, #tpu.memory_space<vmem_shared>>
        tpu.wait_dma2 semaphore(%run_scoped3A : memref<!tpu.dma_semaphore, #tpu.memory_space<semaphore_mem>>) src(%dma_wait3A_353 : memref<1024xf32, #tpu.memory_space<vmem_shared>>) dst(%arg7 : memref<1024xf32, #tpu.memory_space<vmem>>)
        tpu.yield
      }) : () -> ()
      %parallel_loop3A_327 = arith.constant 0 : i32
      %parallel_loop3A_328 = arith.constant 64 : i32
      %parallel_loop3A_329 = arith.constant 1 : i32
      scf.for %parallel_loop3A_342 = %parallel_loop3A_327 to %parallel_loop3A_328 step %parallel_loop3A_329  : i32 {
        %parallel_loop3A_343 = arith.constant 16 : i32
        %parallel_loop3A_344 = arith.muli %parallel_loop3A_342, %parallel_loop3A_343 : i32
        %parallel_loop3A_345 = arith.index_cast %parallel_loop3A_344 : i32 to index
        %parallel_loop3A_346 = tpu.vector_load %arg6[%parallel_loop3A_345] {strides = array<i32>} : memref<1024xf32, #tpu.memory_space<vmem>>, vector<16xf32>,
        %parallel_loop3A_347 = vector.shape_cast %parallel_loop3A_346 : vector<16xf32> to vector<16xf32>
        %parallel_loop3A_348 = arith.index_cast %parallel_loop3A_344 : i32 to index
        %parallel_loop3A_349 = tpu.vector_load %arg7[%parallel_loop3A_348] {strides = array<i32>} : memref<1024xf32, #tpu.memory_space<vmem>>, vector<16xf32>,
        %parallel_loop3A_350 = vector.shape_cast %parallel_loop3A_349 : vector<16xf32> to vector<16xf32>
        %parallel_loop3A_351 = arith.addf %parallel_loop3A_347, %parallel_loop3A_350 : vector<16xf32>
        %parallel_loop3A_352 = arith.index_cast %parallel_loop3A_344 : i32 to index
        %parallel_loop3A_353 = tpu.vector_load %arg6[%parallel_loop3A_352] {strides = array<i32>} : memref<1024xf32, #tpu.memory_space<vmem>>, vector<16xf32>,
        %parallel_loop3A_354 = vector.shape_cast %parallel_loop3A_353 : vector<16xf32> to vector<16xf32>
        %parallel_loop3A_355 = vector.shape_cast %parallel_loop3A_351 : vector<16xf32> to vector<16xf32>
        tpu.vector_store %arg6[%parallel_loop3A_352], %parallel_loop3A_355 {strides = array<i32>} : memref<1024xf32, #tpu.memory_space<vmem>>, vector<16xf32>,
      } {sc.loop_unroll_factor = 2 : i64, sc.parallel_access}
      %dma_start3A_330 = arith.constant 0 : i32
      %dma_start3A_331 = tpu.memref_slice %arg3[%add3A, %dma_start3A_330] : memref<16x1024xf32, #tpu.memory_space<hbm>> -> memref<1x1024xf32, #tpu.memory_space<hbm>>
      %dma_start3A_332 = tpu.memref_squeeze %dma_start3A_331 : memref<1x1024xf32, #tpu.memory_space<hbm>> -> memref<1024xf32, #tpu.memory_space<hbm>>
      %dma_start3A_333 = arith.constant 0 : i32
      %dma_start3A_334 = tpu.memref_slice %arg3[%add3A, %dma_start3A_333] : memref<16x1024xf32, #tpu.memory_space<hbm>> -> memref<1x1024xf32, #tpu.memory_space<hbm>>
      %dma_start3A_335 = tpu.memref_squeeze %dma_start3A_334 : memref<1x1024xf32, #tpu.memory_space<hbm>> -> memref<1024xf32, #tpu.memory_space<hbm>>
      tpu.enqueue_dma source(%arg6 : memref<1024xf32, #tpu.memory_space<vmem>>) target(%dma_start3A_335 : memref<1024xf32, #tpu.memory_space<hbm>>) target_semaphore(%arg11 : memref<!tpu.dma_semaphore, #tpu.memory_space<semaphore_mem>>)
      %dma_wait3A_336 = arith.constant 0 : i32
      %dma_wait3A_337 = tpu.memref_slice %arg3[%add3A, %dma_wait3A_336] : memref<16x1024xf32, #tpu.memory_space<hbm>> -> memref<1x1024xf32, #tpu.memory_space<hbm>>
      %dma_wait3A_338 = tpu.memref_squeeze %dma_wait3A_337 : memref<1x1024xf32, #tpu.memory_space<hbm>> -> memref<1024xf32, #tpu.memory_space<hbm>>
      %dma_wait3A_339 = arith.constant 0 : i32
      %dma_wait3A_340 = tpu.memref_slice %arg3[%add3A, %dma_wait3A_339] : memref<16x1024xf32, #tpu.memory_space<hbm>> -> memref<1x1024xf32, #tpu.memory_space<hbm>>
      %dma_wait3A_341 = tpu.memref_squeeze %dma_wait3A_340 : memref<1x1024xf32, #tpu.memory_space<hbm>> -> memref<1024xf32, #tpu.memory_space<hbm>>
      tpu.wait_dma2 semaphore(%arg11 : memref<!tpu.dma_semaphore, #tpu.memory_space<semaphore_mem>>) src(%arg6 : memref<1024xf32, #tpu.memory_space<vmem>>) dst(%dma_wait3A_341 : memref<1024xf32, #tpu.memory_space<hbm>>)
    } else {
    }
    return
  }
}

module attributes {stable_mosaic.version = 14 : i64} {
  func.func @_merge_body(%arg0: memref<16x1024xf32, #tpu.memory_space<vmem>>, %arg1: memref<16x1024xf32, #tpu.memory_space<vmem>>, %arg2: memref<16x1024xf32, #tpu.memory_space<vmem>>) attributes {dimension_semantics = [], scalar_prefetch = 0 : i64, scratch_operands = 0 : i64, tpu.core_type = #tpu.core_type<tc>} {
    %get3A = arith.constant 0 : index
    %get3A_0 = arith.constant 0 : index
    %get3A_1 = vector.load %arg0[%get3A, %get3A_0] : memref<16x1024xf32, #tpu.memory_space<vmem>>, vector<16x1024xf32>
    %get3A_2 = arith.constant 0 : index
    %get3A_3 = arith.constant 0 : index
    %get3A_4 = vector.load %arg1[%get3A_2, %get3A_3] : memref<16x1024xf32, #tpu.memory_space<vmem>>, vector<16x1024xf32>
    %add3A = arith.addf %get3A_1, %get3A_4 : vector<16x1024xf32>
    %mul3A = arith.constant 4.8828125E-4 : f32
    %mul3A_5 = vector.broadcast %mul3A : f32 to vector<16x1024xf32>
    %mul3A_6 = arith.mulf %add3A, %mul3A_5 : vector<16x1024xf32>
    %swap3A = arith.constant 0 : index
    %swap3A_7 = arith.constant 0 : index
    %swap3A_8 = vector.load %arg2[%swap3A, %swap3A_7] : memref<16x1024xf32, #tpu.memory_space<vmem>>, vector<16x1024xf32>
    tpu.vector_store %arg2[%swap3A, %swap3A_7], %mul3A_6 {strides = array<i32>} : memref<16x1024xf32, #tpu.memory_space<vmem>>, vector<16x1024xf32>,
    return
  }
}

module attributes {stable_mosaic.version = 14 : i64} {
  func.func @_tc_body(%arg0: i32, %arg1: memref<2x1280x1024xf32, #tpu.memory_space<vmem>>, %arg2: memref<16x1024xf32, #tpu.memory_space<vmem>>) attributes {dimension_semantics = [#tpu.dimension_semantics<arbitrary>], iteration_bounds = array<i64: 8>, scalar_prefetch = 0 : i64, scratch_operands = 0 : i64, tpu.core_type = #tpu.core_type<tc>, window_params = [{transform_indices = @transform_0, window_bounds = array<i64: 2, 1280, 1024>}, {pipeline_mode = #tpu.pipeline_mode<synchronous>, transform_indices = @transform_1, window_bounds = array<i64: 16, 1024>}]} {
    %get3A = arith.constant 0 : index
    %get3A_0 = arith.constant 0 : index
    %get3A_1 = arith.constant 0 : index
    %get3A_2 = vector.load %arg1[%get3A, %get3A_0, %get3A_1] : memref<2x1280x1024xf32, #tpu.memory_space<vmem>>, vector<2x1280x1024xf32>
    %reduce_sum3A = arith.constant dense<0.000000e+00> : vector<2x1024xf32>
    %reduce_sum3A_3 = vector.multi_reduction <add>, %get3A_2, %reduce_sum3A [1] : vector<2x1280x1024xf32> to vector<2x1024xf32>
    %slice3A = vector.extract_strided_slice %reduce_sum3A_3 {offsets = [0, 0], sizes = [1, 1024], strides = [1, 1]} : vector<2x1024xf32> to vector<1x1024xf32>
    %mul3A = arith.constant 2 : i32
    %mul3A_4 = arith.muli %arg0, %mul3A : i32
    %add3A = arith.constant 0 : i32
    %add3A_5 = arith.addi %mul3A_4, %add3A : i32
    %swap3A = arith.index_cast %add3A_5 : i32 to index
    %swap3A_6 = arith.constant 0 : index
    %swap3A_7 = vector.load %arg2[%swap3A, %swap3A_6] : memref<16x1024xf32, #tpu.memory_space<vmem>>, vector<1x1024xf32>
    tpu.vector_store %arg2[%swap3A, %swap3A_6], %slice3A {strides = array<i32>} : memref<16x1024xf32, #tpu.memory_space<vmem>>, vector<1x1024xf32>,
    %slice3A_8 = vector.extract_strided_slice %reduce_sum3A_3 {offsets = [1, 0], sizes = [1, 1024], strides = [1, 1]} : vector<2x1024xf32> to vector<1x1024xf32>
    %mul3A_9 = arith.constant 2 : i32
    %mul3A_10 = arith.muli %arg0, %mul3A_9 : i32
    %add3A_11 = arith.constant 1 : i32
    %add3A_12 = arith.addi %mul3A_10, %add3A_11 : i32
    %swap3A_13 = arith.index_cast %add3A_12 : i32 to index
    %swap3A_14 = arith.constant 0 : index
    %swap3A_15 = vector.load %arg2[%swap3A_13, %swap3A_14] : memref<16x1024xf32, #tpu.memory_space<vmem>>, vector<1x1024xf32>
    tpu.vector_store %arg2[%swap3A_13, %swap3A_14], %slice3A_8 {strides = array<i32>} : memref<16x1024xf32, #tpu.memory_space<vmem>>, vector<1x1024xf32>,
    return
  }
  func.func @transform_0(%arg0: i32) -> (i32, i32, i32) {
    %c0_i32 = arith.constant 0 : i32
    %c0_i32_0 = arith.constant 0 : i32
    %c0_i32_1 = arith.constant 0 : i32
    return %arg0, %c0_i32, %c0_i32_0 : i32, i32, i32
  }
  func.func @transform_1(%arg0: i32) -> (i32, i32) {
    %c0_i32 = arith.constant 0 : i32
    %c0_i32_0 = arith.constant 0 : i32
    %c0_i32_1 = arith.constant 0 : i32
    return %c0_i32, %c0_i32_0 : i32, i32
  }
}

</mosaic_0001>

<sc_bundles>
// kernel: kernel.5.cloned.1.call-start
scs
__scs_entry_jumppad:
0x0: {  	(pc) =	sbr.rel $0x88, $3  }
0x1: {  	(tag) =	ssettag $0x0;
	lr =	simm.s32 $0x1  }
0x2: {  	[smem:$0x3FA0] =	sst lr;
	_ =	strace $0xD0000000  }
0x3: {  	_ = 	snop  }
0x4: {  	_ = 	snop  }
0x5: {  	_ = 	snop  }
0x6: {  	_ = 	snop  }
0x7: {  	_ = 	snop  }
__scs_overlays_trampoline_lowered:
0x8: {  	[smem:$0x3FAF] =	sst s0  }
0x9: {  	[smem:$0x3FB0] =	sst s1  }
0xa: {  	[smem:$0x3FB1] =	sst s2  }
0xb: {  	[smem:$0x3FB2] =	sst s3  }
0xc: {  	[smem:$0x3FB3] =	sst s4  }
0xd: {  	[smem:$0x3FB4] =	sst s5  }
0xe: {  	[smem:$0x3FB5] =	sst s6  }
0xf: {  	[smem:$0x3FB6] =	sst s7  }
0x10: {  	[smem:$0x3FB7] =	sst s8  }
0x11: {  	[smem:$0x3FB8] =	sst s9;
	s0 =	simm.s32 @!p0 $0x0  }
0x12: {  	s1 =	sld [smem:$0x3F9E];
	s0 =	simm.s32 @p0 $0x1  }
0x13: {  	[smem:$0x3FB9] =	sst s0;
	s0 =	simm.s32 @!p1 $0x0  }
0x14: {  	s2 =	sld [smem:$0x3F9D];
	s0 =	simm.s32 @p1 $0x1  }
0x15: {  	[smem:$0x3FBA] =	sst s0;
	s0 =	simm.s32 @!p2 $0x0  }
0x16: {  	s3 =	sld [smem:$0x3FDB];
	s0 =	simm.s32 @p2 $0x1  }
0x17: {  	s4 =	simm.s32 $0x1BF5;
	[smem:$0x3FBC] =	sst s0  }
0x18: {  	s0 =	sld [smem:$0x3F9F];
	_ =	swait.ge [sflag:s4], $0x0  }
0x19: {  	s7 =	sld [smem:$0x3FA0]  }
0x1a: {  	s8 =	sadd.s32 $0xFFFFE003, lr  }
0x1b: {  	s9 =	sadd.s32 $0xFFFFFEF7, lr;
	s5 =	simm.s32 $0xFFFFFFFF;
	p2 =	slt.u32 s8, $0xFFFFF086  }
0x1c: {  	p1 =	slt.u32 s9, $0xF7A;
	s5 =	simm.s32 @!p2 $0x0  }
0x1d: {  	s5 =	simm.s32 @p1 $0x1;
	p0 =	seq.s32 s7, s2  }
0x1e: {  	s7 =	smul.u32 @!p0 $0xF7A, s2;
	p2 =	seq.s32 @!p0 s5, $0x0  }
0x1f: {  	s9 =	smul.u32 $0xF7A, s1;
	s8 =	simm.s32 @!p0 $0x1BF5;
	p2 =	por !p2, p0  }
0x20: {  	[sflag:s8] =	ssyncset.s32 @!p0 $0xFFFFF086;
	s6 =	sadd.s32 @!p0 s3, s7;
	s7 =	simm.s32 @!p0 $0x108  }
0x21: {  	s3 =	sadd.s32 s3, s9;
	s6 =	sadd.s32 @!p0 $0x88, s6;
	s7 =	simm.s32 @p2 $0x1082  }
0x22: {  	[simem:s7], [sflag:s8] =	dma.local @!p0 [hbm:s6], $0xF7A  }
0x23: {  	s9 =	sor.u32 $0xD0000000, s2;
	s6 =	simm.s32 $0x108;
	_ =	swait.ge @!p0 [sflag:s8], $0x0  }
0x24: {  	s3 =	sadd.s32 $0x88, s3;
	s6 =	simm.s32 @!p1 $0x1082;
	[sflag:s4] =	ssyncset.s32 $0xFFFFF086  }
0x25: {  	[simem:s6], [sflag:s4] =	dma.local [hbm:s3], $0xF7A  }
0x26: {  	[smem:$0x3FA0] =	sst s1;
	(tag) =	ssettag s2;
	_ =	strace s9  }
0x27: {  	s1 =	sld [smem:$0x3FB0]  }
0x28: {  	s2 =	sld [smem:$0x3FB1]  }
0x29: {  	s4 =	sld [smem:$0x3FB3]  }
0x2a: {  	p0 =	seq.s32 s5, $0x0;
	s5 =	sld [smem:$0x3FB4]  }
0x2b: {  	s6 =	sld [smem:$0x3FB5]  }
0x2c: {  	s7 =	sld [smem:$0x3FB6]  }
0x2d: {  	s3 =	simm.s32 $0x108;
	s8 =	sld [smem:$0x3FB7]  }
0x2e: {  	s3 =	simm.s32 @!p0 $0x1082;
	s9 =	sld [smem:$0x3FB8]  }
0x2f: {  	lr =	sadd.s32 s0, s3;
	s0 =	sld [smem:$0x3FAF]  }
0x30: {  	s3 =	sld [smem:$0x3FB2]  }
0x31: {  	[smem:$0x3FBB] =	sst s10  }
0x32: {  	s10 =	sld [smem:$0x3FB9];
	_ =	sdelay $0x3  }
0x33: {  	p0 =	seq.s32 s10, $0x1;
	s10 =	sld [smem:$0x3FBB];
	_ =	sdelay $0x3  }
0x34: {  	[smem:$0x3FBB] =	sst s10  }
0x35: {  	s10 =	sld [smem:$0x3FBA];
	_ =	sdelay $0x3  }
0x36: {  	p1 =	seq.s32 s10, $0x1;
	s10 =	sld [smem:$0x3FBB];
	_ =	sdelay $0x3  }
0x37: {  	[smem:$0x3FBB] =	sst s10  }
0x38: {  	s10 =	sld [smem:$0x3FBC]  }
0x39: {  	_ = 	snop;
	(pc) =	sbr.ind lr, $3  }
0x3a: {  	_ = 	snop  }
0x3b: {  	_ = 	snop  }
0x3c: {  	p2 =	seq.s32 s10, $0x1;
	s10 =	sld [smem:$0x3FBB]  }
0x3d: {  	_ =	shalt  }
0x3e: {  	_ =	shalt  }
0x3f: {  	_ =	shalt  }
0x40: {  	_ =	shalt  }
0x41: {  	_ =	shalt  }
0x42: {  	_ =	shalt  }
0x43: {  	_ =	shalt  }
0x44: {  	_ =	shalt  }
0x45: {  	_ =	shalt  }
0x46: {  	_ =	shalt  }
0x47: {  	_ =	shalt  }
0x48: {  	_ =	shalt  }
0x49: {  	_ =	shalt  }
0x4a: {  	_ =	shalt  }
0x4b: {  	_ =	shalt  }
0x4c: {  	_ =	shalt  }
0x4d: {  	_ =	shalt  }
0x4e: {  	_ =	shalt  }
0x4f: {  	_ =	shalt  }
0x50: {  	_ =	shalt  }
0x51: {  	_ =	shalt  }
0x52: {  	_ =	shalt  }
0x53: {  	_ =	shalt  }
0x54: {  	_ =	shalt  }
0x55: {  	_ =	shalt  }
0x56: {  	_ =	shalt  }
0x57: {  	_ =	shalt  }
0x58: {  	_ =	shalt  }
0x59: {  	_ =	shalt  }
0x5a: {  	_ =	shalt  }
0x5b: {  	_ =	shalt  }
0x5c: {  	_ =	shalt  }
0x5d: {  	_ =	shalt  }
0x5e: {  	_ =	shalt  }
0x5f: {  	_ =	shalt  }
0x60: {  	_ =	shalt  }
0x61: {  	_ =	shalt  }
0x62: {  	_ =	shalt  }
0x63: {  	_ =	shalt  }
0x64: {  	_ =	shalt  }
0x65: {  	_ =	shalt  }
0x66: {  	_ =	shalt  }
0x67: {  	_ =	shalt  }
0x68: {  	_ =	shalt  }
0x69: {  	_ =	shalt  }
0x6a: {  	_ =	shalt  }
0x6b: {  	_ =	shalt  }
0x6c: {  	_ =	shalt  }
0x6d: {  	_ =	shalt  }
0x6e: {  	_ =	shalt  }
0x6f: {  	_ =	shalt  }
0x70: {  	_ =	shalt  }
0x71: {  	_ =	shalt  }
0x72: {  	_ =	shalt  }
0x73: {  	_ =	shalt  }
0x74: {  	_ =	shalt  }
0x75: {  	_ =	shalt  }
0x76: {  	_ =	shalt  }
0x77: {  	_ =	shalt  }
0x78: {  	_ =	shalt  }
0x79: {  	_ =	shalt  }
0x7a: {  	_ =	shalt  }
0x7b: {  	_ =	shalt  }
0x7c: {  	_ =	shalt  }
0x7d: {  	_ =	shalt  }
0x7e: {  	_ =	shalt  }
0x7f: {  	_ =	shalt  }
0x80: {  	_ =	shalt  }
0x81: {  	_ =	shalt  }
0x82: {  	_ =	shalt  }
0x83: {  	_ =	shalt  }
0x84: {  	_ =	shalt  }
0x85: {  	_ =	shalt  }
0x86: {  	_ =	shalt  }
0x87: {  	_ =	shalt  }
.Lfunc_end0:
.L_simem_size_0:
called_computation_lowered:
.L_overlay_start_0:
0x88: {  	s2 =	sld [smem:$0x3FD9]  }
0x89: {  	s3 =	sld [smem:$0x3FFE];
	_ =	sdelay $0x1  }
0x8a: {  	s1 =	srdreg.scid  }
0x8b: {  	s0 =	sand.u32 $0x1, s1  }
0x8c: {  	s18 =	sshll.u32 s0, $0xA;
	s2 =	sadd.s32 s3, s2  }
0x8d: {  	s2 =	sadd.s32 s2, s18  }
0x8e: {  	[smem:$0x3FC7] =	sst s2  }
0x8f: {  	_ = 	snop  }
0x90: {  	s2 =	sld [smem:$0x3FC9]  }
0x91: {  	s19 =	sld [smem:$0x3FD0];
	(tm) =	ssettm $0x1  }
0x92: {  	s4 =	sld [smem:$0x3FFB];
	_ =	sdelay $0x3  }
0x93: {  	_ =	strace s4  }
0x94: {  	s4 =	sld [smem:$0x3FFC];
	_ =	sdelay $0x3  }
0x95: {  	_ =	strace s4  }
0x96: {  	s4 =	sld [smem:$0x3FFD];
	_ =	sdelay $0x3  }
0x97: {  	_ =	strace s4  }
0x98: {  	_ =	strace $0x8FFFFFFF  }
0x99: {  	s20 =	sld [smem:$0x3FDB];
	_ =	sdelay $0x1  }
0x9a: {  	s5 =	simm.s32 $_scs_section_size  }
0x9b: {  	s6 =	simm.s32 $_size__tile_overlayer_lowered;
	s7 =	simm.s32 $_tile_overlayer_lowered  }
0x9c: {  	s23 =	simm.s32 $0x1BFF;
	s22 =	sshll.u32 s7, $0x1;
	s4 =	sadd.s32 s5, s20  }
0x9d: {  	s8 =	simm.s32 $0x0;
	s21 =	sshll.u32 s6, $0x1;
	s6 =	sadd.s32 s22, s4  }
0x9e: {  	[timem:s8], [sflag:s23] =	dma.local [hbm:s6], s21  }
0x9f: {  	_ =	swait.ge [sflag:s23], s21  }
0xa0: {  	s5 =	ssub.s32 $0x0, s21;
	[sflag:s23] =	ssyncset.done $0x0  }
0xa1: {  	[sflag:s23] =	ssyncadd.s32 s5;
	_ =	sdelay $0x1  }
0xa2: {  	s24 =	simm.s32 $0x1B8B  }
0xa3: {  	_ =	swait.ge [sflag:s24], $0x1  }
0xa4: {  	[sflag:s24] =	ssyncset.done $0x0  }
0xa5: {  	s25 =	simm.s32 $0x1B8E;
	[sflag:s24] =	ssyncadd.s32 $0xFFFFFFFF  }
0xa6: {  	s26 =	simm.s32 $execute0_lowered;
	[smem:$0x3FD2] =	sst s25  }
0xa7: {  	s5 =	sshll.u32 s26, $0x1;
	_ =	strace $0x80000046;
	[dreg:$0x1] =	wrdreg $0xFFFFFFFF  }
0xa8: {  	s28 =	simm.s32 $_size_execute0_lowered;
	s4 =	sadd.s32 s4, s5;
	[dreg:$0x0] =	wrdreg $0x0  }
0xa9: {  	s5 =	sshll.u32 s28, $0x1;
	[dreg:$0x2] =	wrdreg s4  }
0xaa: {  	[dreg:$0x3] =	wrdreg s5  }
0xab: {  	[dreg:$0x4] =	wrdreg $0xC0  }
0xac: {  	_ =	task [dreg:s8], $0x5FFFF  }
0xad: {  	[dreg:$0x1] =	wrdreg $0xFFFFFFFF  }
0xae: {  	[dreg:$0x0] =	wrdreg $0x60  }
0xaf: {  	[dreg:$0x2] =	wrdreg s2  }
0xb0: {  	[dreg:$0x3] =	wrdreg s19  }
0xb1: {  	[dreg:$0x4] =	wrdreg $0x88000  }
0xb2: {  	[dreg:$0x5] =	wrdreg $0x9  }
0xb3: {  	_ =	task.clear_ibuf [dreg:s8], $0x6FFFF;
	_ =	strace $0x90000046  }
0xb4: {  	s29 =	simm.s32 $0x9;
	_ =	strace $0x80000048  }
0xb5: {  	_ =	swait.ge [sflag:s29], $0x1  }
0xb6: {  	[sflag:s29] =	ssyncadd.s32 $0xFFFFFFFF  }
0xb7: {  	_ =	strace $0x90000048  }
0xb8: {  	_ =	sfence  }
0xb9: {  	s30 =	sld [smem:$0x0];
	_ =	sdelay $0x2  }
0xba: {  	s31 =	sshll.u32 s1, $0xD;
	s1 =	sshrl.u32 s1, $0x2  }
0xbb: {  	s3 =	sand.u32 $0x4000, s31;
	s1 =	sadd.s32 s1, s30  }
0xbc: {  	s0 =	sor.u32 s3, s0;
	s1 =	sshll.u32 s1, $0x11  }
0xbd: {  	s0 =	sor.u32 s1, s0  }
0xbe: {  	s0 =	sadd.s32 $0x8F2B, s0  }
0xbf: {  	[sflag:s0] =	ssyncadd.remote.s32 $0x1  }
0xc0: {  	_ =	sfence.sel $0xFFFF  }
0xc1: {  	[dreg:$0x0] =	wrdreg $0xFFFFFFFF;
	(pc) =	sbr.abs _section_cstart, $3  }
0xc2: {  	[dreg:$0x1] =	wrdreg $0xFFFFFFFF  }
0xc3: {  	_ =	task.clear_ibuf [dreg:s8], $0x2FFFF;
	_ =	strace $0x9FFFFFFF  }
0xc4: {  	(tm) =	ssettm $0x7FFFFFFF  }
0xc5: {  	_ =	shalt  }
tec
execute0_lowered:
.L_overlay_start_1:
0x0: {  	(tag) =	ssettag $0x1  }
0x1: {  	s1 =	rddreg [dreg:$0x0]  }
0x2: {  	s0 =	rddreg [dreg:$0x1];
	s2 =	srdreg.scid  }
0x3: {  	s12 =	stileid.u32;
	s8 =	rddreg [dreg:$0x2];
	s14 =	simm.s32 $0x2  }
0x4: {  	s21 =	simm.s32 $0x0;
	s2 =	sand.u32 $0x1, s2;
	s4 =	sshrl.u32 s12, $0x1  }
0x5: {  	s9 =	sand.u32 $0x1, s12;
	s11 =	sshll.u32 s12, $0xA;
	s12 =	sshll.u32 s12, $0x7  }
0x6: {  	s3 =	sshll.u32 s2, $0xE;
	s5 =	sshll.u32 s4, $0xB;
	s6 =	smul.u32 $0x180, s9  }
0x7: {  	s24 =	ssub.s32 $0x2, s2;
	s11 =	sand.u32 $0x2000, s11;
	s13 =	sand.u32 $0x380, s12  }
0x8: {  	s28 =	sand.u32 $0x300, s12;
	s2 =	sshll.u32 s2, $0xA;
	s4 =	sshll.u32 s4, $0x4  }
0x9: {  	s12 =	simm.s32 $0x4000;
	s5 =	sor.u32 s5, s3;
	s3 =	simm.s32 $0x0  }
0xa: {  	s10 =	sshrl.u32 s24, $0x1;
	s8 =	sadd.s32 s11, s8;
	s0 =	sadd.s32 s0, s2  }
0xb: {  	s7 =	sor.u32 s5, s6;
	[smem:$0x7FF] =	sst s3;
	s10 =	ssub.s32 s24, s10  }
0xc: {  	s11 =	sadd.s32 s28, s8;
	s29 =	sadd.s32 s13, s8;
	s0 =	sadd.s32 s4, s0  }
0xd: {  	s6 =	sshll.u32 s7, $0x7;
	_ =	strace $0x80000047;
	[dreg:$0x6] =	wrdreg s29  }
.Ltmp0:
0xe: {  	s30 =	sadd.s32 $0x80, s11;
	[dreg:$0x8] =	wrdreg s0;
	(pc) =	sbr.rel .LBB2_1-.Ltmp0, $4  }
0xf: {  	s31 =	smax.u32 s10, $0x1;
	s6 =	sadd.s32 s1, s6;
	[dreg:$0x7] =	wrdreg s30  }
0x10: {  	p0 =	sne.s32 s9, $0x0;
	[dreg:$0x9] =	wrdreg s31;
	s25 =	sadd.s32 $0x28000, s6  }
0x11: {  	s13 =	simm.s32 $0x1;
	s26 =	sadd.s32 $0x28800, s6;
	[dreg:$0x4] =	wrdreg s25  }
0x12: {  	v0 =	vimm.f32 $0.0e+00;
	s6 =	sadd.s32 $0x520, s7;
	s7 =	sadd.s32 $0x530, s7;
	[dreg:$0x5] =	wrdreg s26  }
.LBB2_15:
0x13: {  	s21 =	sadd.s32 $0x1, s21;
	s0 =	rddreg [dreg:$0x9]  }
0x14: {  	p1 =	sne.s32 s21, s0  }
.Ltmp1:
0x15: {  	_ = 	snop;
	(pc) =	sbr.rel @!p1 .LBB2_16-.Ltmp1, $1  }
0x16: {  	_ =	sdelay $0x3  }
.LBB2_1:
0x17: {  	s0 =	rddreg [dreg:$0x4]  }
0x18: {  	[tilespmem:s3], [sflag:$0x1] =	stream.linear.gather [hbm4b:s0+s3], $0x4000, $0x38;
	[tilespmem:$0x8C00] =	vst v63  }
0x19: {  	s31 =	rddreg [dreg:$0x5]  }
0x1a: {  	[tilespmem:s12], [sflag:$0x2] =	stream.linear.gather [hbm4b:s31+s3], $0x4000, $0x38;
	[tilespmem:$0x8C00] =	vst v63  }
0x1b: {  	[tilespmem:$0x8000] =	vst v0  }
0x1c: {  	[tilespmem:$0x8010] =	vst v0  }
0x1d: {  	[tilespmem:$0x8020] =	vst v0  }
0x1e: {  	[tilespmem:$0x8030] =	vst v0  }
0x1f: {  	[tilespmem:$0x8040] =	vst v0  }
0x20: {  	[tilespmem:$0x8050] =	vst v0  }
0x21: {  	[tilespmem:$0x8060] =	vst v0  }
0x22: {  	[tilespmem:$0x8070] =	vst v0  }
0x23: {  	[tilespmem:$0x8080] =	vst v0  }
0x24: {  	[tilespmem:$0x8090] =	vst v0  }
0x25: {  	[tilespmem:$0x80A0] =	vst v0  }
0x26: {  	[tilespmem:$0x80B0] =	vst v0  }
0x27: {  	[tilespmem:$0x80C0] =	vst v0  }
0x28: {  	[tilespmem:$0x80D0] =	vst v0  }
0x29: {  	[tilespmem:$0x80E0] =	vst v0  }
0x2a: {  	[tilespmem:$0x80F0] =	vst v0  }
0x2b: {  	[tilespmem:$0x8100] =	vst v0  }
0x2c: {  	[tilespmem:$0x8110] =	vst v0  }
0x2d: {  	[tilespmem:$0x8120] =	vst v0  }
0x2e: {  	[tilespmem:$0x8130] =	vst v0  }
0x2f: {  	[tilespmem:$0x8140] =	vst v0  }
0x30: {  	[tilespmem:$0x8150] =	vst v0  }
0x31: {  	[tilespmem:$0x8160] =	vst v0  }
0x32: {  	[tilespmem:$0x8170] =	vst v0  }
0x33: {  	[tilespmem:$0x8180] =	vst v0  }
0x34: {  	[tilespmem:$0x8190] =	vst v0  }
0x35: {  	[tilespmem:$0x81A0] =	vst v0  }
0x36: {  	[tilespmem:$0x81B0] =	vst v0  }
0x37: {  	[tilespmem:$0x81C0] =	vst v0  }
0x38: {  	[tilespmem:$0x81D0] =	vst v0  }
0x39: {  	[tilespmem:$0x81E0] =	vst v0  }
0x3a: {  	[tilespmem:$0x81F0] =	vst v0  }
0x3b: {  	[tilespmem:$0x8200] =	vst v0  }
0x3c: {  	[tilespmem:$0x8210] =	vst v0  }
0x3d: {  	[tilespmem:$0x8220] =	vst v0  }
0x3e: {  	[tilespmem:$0x8230] =	vst v0  }
0x3f: {  	[tilespmem:$0x8240] =	vst v0  }
0x40: {  	[tilespmem:$0x8250] =	vst v0  }
0x41: {  	[tilespmem:$0x8260] =	vst v0  }
0x42: {  	[tilespmem:$0x8270] =	vst v0  }
0x43: {  	[tilespmem:$0x8280] =	vst v0  }
0x44: {  	[tilespmem:$0x8290] =	vst v0  }
0x45: {  	[tilespmem:$0x82A0] =	vst v0  }
0x46: {  	[tilespmem:$0x82B0] =	vst v0  }
0x47: {  	[tilespmem:$0x82C0] =	vst v0  }
0x48: {  	[tilespmem:$0x82D0] =	vst v0  }
0x49: {  	[tilespmem:$0x82E0] =	vst v0  }
0x4a: {  	[tilespmem:$0x82F0] =	vst v0  }
0x4b: {  	[tilespmem:$0x8300] =	vst v0  }
0x4c: {  	[tilespmem:$0x8310] =	vst v0  }
0x4d: {  	[tilespmem:$0x8320] =	vst v0  }
0x4e: {  	[tilespmem:$0x8330] =	vst v0  }
0x4f: {  	[tilespmem:$0x8340] =	vst v0  }
0x50: {  	[tilespmem:$0x8350] =	vst v0  }
0x51: {  	[tilespmem:$0x8360] =	vst v0  }
0x52: {  	[tilespmem:$0x8370] =	vst v0  }
0x53: {  	[tilespmem:$0x8380] =	vst v0  }
0x54: {  	[tilespmem:$0x8390] =	vst v0  }
0x55: {  	[tilespmem:$0x83A0] =	vst v0  }
0x56: {  	[tilespmem:$0x83B0] =	vst v0  }
0x57: {  	[tilespmem:$0x83C0] =	vst v0  }
0x58: {  	[tilespmem:$0x83D0] =	vst v0  }
0x59: {  	[tilespmem:$0x83E0] =	vst v0  }
0x5a: {  	s22 =	simm.s32 $0x0;
	[tilespmem:$0x83F0] =	vst v0  }
.LBB2_2:
0x5b: {  	s2 =	simm.s32 $0x0  }
0x5c: {  	_ =	swait.ge [sflag:s13], $0x4000;
	s0 =	sand.u32 $0x60, s2  }
0x5d: {  	[sflag:s13] =	ssyncset.done $0x0;
	s4 =	sand.u32 $0x1C00, s2;
	s9 =	sor.u32 $0x10, s0  }
0x5e: {  	[sflag:s13] =	ssyncadd.s32 $0xFFFFC000;
	s10 =	sor.u32 s9, s4  }
0x5f: {  	s15 =	sor.u32 $0x2000, s4;
	v1 =	vld [tilespmem:s10+$0x0]  }
0x60: {  	s17 =	sor.u32 $0x2080, s4;
	s19 =	sor.u32 s9, s15;
	v2 =	vld [tilespmem:s10+$0x80]  }
0x61: {  	s30 =	sor.u32 s9, s17;
	v3 =	vld [tilespmem:s19+$0x0]  }
0x62: {  	s20 =	sor.u32 $0x2100, s4;
	v4 =	vld [tilespmem:s30+$0x0]  }
0x63: {  	s31 =	sor.u32 s9, s20;
	v5 =	vld [tilespmem:s10+$0x100]  }
0x64: {  	s23 =	sor.u32 $0x2180, s4;
	v6 =	vld [tilespmem:s31+$0x0]  }
0x65: {  	s5 =	sor.u32 s9, s23;
	v7 =	vld [tilespmem:s10+$0x180]  }
0x66: {  	s24 =	sor.u32 $0x2200, s4;
	v8 =	vld [tilespmem:s5+$0x0]  }
0x67: {  	s25 =	sor.u32 s9, s24;
	v9 =	vld [tilespmem:s10+$0x200]  }
0x68: {  	s28 =	sor.u32 $0x2280, s4;
	v10 =	vld [tilespmem:s25+$0x0]  }
0x69: {  	s29 =	sor.u32 $0x2380, s4;
	s11 =	sor.u32 s9, s28;
	v11 =	vld [tilespmem:s10+$0x280]  }
0x6a: {  	s18 =	sor.u32 s9, s29;
	v12 =	vld [tilespmem:s11+$0x0]  }
0x6b: {  	v15 =	vld [tilespmem:s18+$0x0];
	s31 =	sor.u32 s0, s17  }
0x6c: {  	s25 =	sor.u32 $0x2300, s4;
	s4 =	sor.u32 s0, s4;
	v18 =	vld [tilespmem:s31+$0x0]  }
0x6d: {  	s8 =	sand.u32 $0x3, s2;
	v19 =	vld [tilespmem:s4+$0x0]  }
0x6e: {  	s19 =	sshll.u32 s8, $0x5;
	s8 =	sor.u32 s0, s20;
	v21 =	vld [tilespmem:s4+$0x80]  }
0x6f: {  	v22 =	vld [tilespmem:s8+$0x0]  }
0x70: {  	s10 =	sor.u32 s0, s23;
	v23 =	vld [tilespmem:s4+$0x100]  }
0x71: {  	v24 =	vld [tilespmem:s10+$0x0]  }
0x72: {  	s11 =	sor.u32 s0, s24;
	v25 =	vld [tilespmem:s4+$0x180]  }
0x73: {  	v26 =	vld [tilespmem:s11+$0x0]  }
0x74: {  	v27 =	vld [tilespmem:s4+$0x200]  }
0x75: {  	s19 =	sadd.s32 $0x0, s19;
	s16 =	sor.u32 s9, s25;
	v29 =	vld [tilespmem:s4+$0x280]  }
0x76: {  	s26 =	sadd.s32 $0x10, s19;
	v13 =	vld [tilespmem:s16+$0x0];
	s16 =	sor.u32 $0x300, s19  }
0x77: {  	s30 =	sor.u32 $0x300, s26;
	v30 =	vld [tilespmem:s16+$0x0]  }
0x78: {  	s26 =	sor.u32 $0x380, s26;
	v14 =	vld [tilespmem:s30+$0x0]  }
0x79: {  	s5 =	sand.u32 $0x380, s2;
	s30 =	sor.u32 s0, s15;
	v16 =	vld [tilespmem:s26+$0x0]  }
0x7a: {  	s26 =	sor.u32 s9, s5;
	v17 =	vld [tilespmem:s30+$0x0]  }
0x7b: {  	s15 =	sor.u32 s0, s28;
	v20 =	vld [tilespmem:s26+$0x8000]  }
0x7c: {  	s2 =	sor.u32 s2, s2;
	s17 =	sor.u32 s0, s25;
	v28 =	vld [tilespmem:s15+$0x0]  }
0x7d: {  	s24 =	simm.s32 $0x100;
	s0 =	sor.u32 s0, s29;
	s28 =	simm.s32 $0x20;
	v1 =	vadd.f32 v2, v1;
	v2 =	vadd.f32 v4, v3;
	v3 =	vld [tilespmem:s17+$0x0]  }
0x7e: {  	s2 =	sor.u32 $0x380, s2;
	s9 =	sand.u32 $0x1C00, s24;
	s29 =	sand.u32 $0x60, s28;
	v4 =	vld [tilespmem:s0+$0x0]  }
0x7f: {  	s23 =	simm.s32 $0x8000;
	s31 =	sor.u32 $0x2000, s9;
	s0 =	sor.u32 $0x10, s29;
	v1 =	vadd.f32 v5, v1;
	v2 =	vadd.f32 v6, v2;
	v5 =	vld [tilespmem:s2+$0x0]  }
0x80: {  	s16 =	sor.u32 $0x2080, s9;
	v6 =	vld [tilespmem:s23+$0x0];
	s19 =	sor.u32 s0, s31  }
0x81: {  	s20 =	sor.u32 s0, s16;
	v38 =	vld [tilespmem:s19+$0x0];
	v1 =	vadd.f32 v7, v1;
	v2 =	vadd.f32 v8, v2  }
0x82: {  	s18 =	sor.u32 s0, s9;
	v39 =	vld [tilespmem:s20+$0x0]  }
0x83: {  	s15 =	sor.u32 $0x2180, s9;
	v40 =	vld [tilespmem:s18+$0x100];
	v1 =	vadd.f32 v9, v1;
	v2 =	vadd.f32 v10, v2  }
0x84: {  	s30 =	sor.u32 s0, s15;
	v42 =	vld [tilespmem:s18+$0x180]  }
0x85: {  	v43 =	vld [tilespmem:s30+$0x0];
	v1 =	vadd.f32 v11, v1;
	v2 =	vadd.f32 v12, v2  }
0x86: {  	v7 =	vld [tilespmem:s18+$0x0]  }
0x87: {  	s19 =	sor.u32 $0x2100, s9;
	v8 =	vld [tilespmem:s18+$0x80];
	v1 =	vadd.f32 v14, v1;
	v2 =	vadd.f32 v13, v2  }
0x88: {  	s17 =	sor.u32 $0x2200, s9;
	v44 =	vld [tilespmem:s18+$0x200];
	s25 =	sor.u32 s0, s19  }
0x89: {  	s8 =	sor.u32 s0, s17;
	v41 =	vld [tilespmem:s25+$0x0];
	v1 =	vadd.f32 v16, v1;
	v2 =	vadd.f32 v15, v2  }
0x8a: {  	s30 =	sor.u32 $0x2280, s9;
	v46 =	vld [tilespmem:s8+$0x0];
	s25 =	simm.s32 $0x1;
	v45 =	vadd.f32 v18, v17  }
0x8b: {  	v47 =	vld [tilespmem:s18+$0x280];
	s20 =	sor.u32 $0x2380, s9;
	s11 =	sor.u32 s0, s30;
	s5 =	sand.u32 $0x3, s25;
	v1 =	vadd.f32 v2, v1;
	v2 =	vadd.f32 v21, v19  }
0x8c: {  	v48 =	vld [tilespmem:s11+$0x0];
	s11 =	sor.u32 s0, s20;
	s2 =	sshll.u32 s5, $0x5;
	v7 =	vadd.f32 v8, v7;
	v8 =	vadd.f32 v39, v38  }
0x8d: {  	v52 =	vld [tilespmem:s11+$0x0];
	s11 =	sor.u32 s29, s19;
	v49 =	vadd.f32 v22, v45;
	s10 =	sadd.s32 $0x100, s2;
	s2 =	sor.u32 $0x2300, s9;
	v2 =	vadd.f32 v23, v2  }
0x8e: {  	v59 =	vld [tilespmem:s11+$0x0];
	s5 =	sadd.s32 $0x10, s10;
	s18 =	sor.u32 s0, s2;
	v7 =	vadd.f32 v40, v7;
	v8 =	vadd.f32 v41, v8  }
0x8f: {  	v10 =	vadd.f32 v24, v49;
	s8 =	sor.u32 $0x300, s5;
	v50 =	vld [tilespmem:s18+$0x0];
	v2 =	vadd.f32 v25, v2  }
0x90: {  	s5 =	sor.u32 $0x380, s5;
	v51 =	vld [tilespmem:s8+$0x0];
	v7 =	vadd.f32 v42, v7;
	v8 =	vadd.f32 v43, v8  }
0x91: {  	s18 =	sor.u32 s29, s31;
	v53 =	vld [tilespmem:s5+$0x0];
	v10 =	vadd.f32 v26, v10;
	v2 =	vadd.f32 v27, v2  }
0x92: {  	s31 =	sor.u32 s29, s16;
	v54 =	vld [tilespmem:s18+$0x0];
	v7 =	vadd.f32 v44, v7;
	v8 =	vadd.f32 v46, v8  }
0x93: {  	s8 =	sor.u32 s29, s9;
	v55 =	vld [tilespmem:s31+$0x0];
	v10 =	vadd.f32 v28, v10;
	v2 =	vadd.f32 v29, v2  }
0x94: {  	s9 =	sand.u32 $0x380, s28;
	v56 =	vld [tilespmem:s8+$0x0];
	v7 =	vadd.f32 v47, v7;
	v8 =	vadd.f32 v48, v8  }
0x95: {  	s0 =	sor.u32 s0, s9;
	v58 =	vld [tilespmem:s8+$0x80];
	v3 =	vadd.f32 v3, v10;
	v2 =	vadd.f32 v30, v2  }
0x96: {  	v57 =	vld [tilespmem:s0+$0x8000];
	v7 =	vadd.f32 v51, v7;
	v8 =	vadd.f32 v50, v8  }
0x97: {  	s16 =	sor.u32 s29, s15;
	v3 =	vadd.f32 v4, v3;
	v2 =	vadd.f32 v5, v2;
	v5 =	vld [tilespmem:s8+$0x100]  }
0x98: {  	v4 =	vadd.f32 v53, v7;
	v7 =	vadd.f32 v52, v8;
	v8 =	vld [tilespmem:s16+$0x0]  }
0x99: {  	s18 =	sor.u32 s29, s17;
	v61 =	vld [tilespmem:s8+$0x180];
	v60 =	vadd.f32 v55, v54;
	v2 =	vadd.f32 v3, v2  }
0x9a: {  	v62 =	vld [tilespmem:s18+$0x0];
	v3 =	vadd.f32 v7, v4;
	v7 =	vadd.f32 v58, v56  }
0x9b: {  	s19 =	sor.u32 s29, s30;
	v1 =	vadd.f32 v1, v20;
	v63 =	vadd.f32 v59, v60;
	v4 =	vld [tilespmem:s8+$0x200]  }
0x9c: {  	v6 =	vadd.f32 v2, v6;
	v2 =	vld [tilespmem:s19+$0x0];
	v5 =	vadd.f32 v5, v7  }
0x9d: {  	s31 =	sor.u32 $0x300, s10;
	[tilespmem:s26+$0x8000] =	vst v1;
	v8 =	vadd.f32 v8, v63;
	v9 =	vadd.f32 v3, v57;
	v3 =	vld [tilespmem:s8+$0x280]  }
0x9e: {  	s30 =	sor.u32 s24, s28;
	s2 =	sor.u32 s29, s2;
	s28 =	simm.s32 $0x2;
	v1 =	vld [tilespmem:s31+$0x0];
	[tilespmem:s23+$0x0] =	vst v6;
	v7 =	vadd.f32 v61, v5  }
0x9f: {  	s10 =	sor.u32 s29, s20;
	s29 =	simm.s32 $0x40;
	s26 =	sor.u32 $0x380, s30;
	[tilespmem:s0+$0x8000] =	vst v9;
	v6 =	vadd.f32 v62, v8;
	v5 =	vld [tilespmem:s2+$0x0]  }
.LBB2_3:
0xa0: {  	s2 =	sand.u32 $0x60, s29;
	v4 =	vadd.f32 v4, v7;
	v7 =	vld [tilespmem:s10+$0x0];
	s24 =	sadd.s32 $0x100, s24;
	s23 =	sadd.s32 $0x20, s23  }
0xa1: {  	s10 =	sand.u32 $0x1C00, s24;
	s0 =	sor.u32 s24, s29;
	s31 =	sor.u32 $0x10, s2;
	v8 =	vld [tilespmem:s26+$0x0];
	v2 =	vadd.f32 v2, v6  }
0xa2: {  	s30 =	sor.u32 s2, s10;
	s26 =	sor.u32 $0x380, s0;
	s4 =	sor.u32 s31, s10;
	v6 =	vld [tilespmem:s23+$0x0];
	v3 =	vadd.f32 v3, v4  }
0xa3: {  	s28 =	sadd.s32 $0x2, s28;
	s0 =	sor.u32 $0x2000, s10;
	v4 =	vld [tilespmem:s4+$0x0]  }
0xa4: {  	p1 =	slt.u32 s28, $0x3E;
	s5 =	sor.u32 $0x2080, s10;
	s8 =	sor.u32 s31, s0;
	v9 =	vld [tilespmem:s4+$0x80];
	v1 =	vadd.f32 v1, v3;
	v2 =	vadd.f32 v5, v2  }
0xa5: {  	s19 =	sor.u32 s2, s0;
	s15 =	sor.u32 s2, s5;
	s0 =	sor.u32 s31, s5;
	v3 =	vld [tilespmem:s8+$0x0]  }
0xa6: {  	s5 =	sor.u32 $0x2100, s10;
	v5 =	vld [tilespmem:s0+$0x0];
	v1 =	vadd.f32 v8, v1;
	v2 =	vadd.f32 v7, v2  }
0xa7: {  	s0 =	sor.u32 s2, s5;
	s5 =	sor.u32 s31, s5;
	v7 =	vld [tilespmem:s4+$0x100]  }
0xa8: {  	s8 =	sor.u32 $0x2180, s10;
	v8 =	vld [tilespmem:s5+$0x0];
	v1 =	vadd.f32 v2, v1  }
0xa9: {  	s9 =	sor.u32 s2, s8;
	s5 =	sor.u32 s31, s8;
	v2 =	vld [tilespmem:s4+$0x180]  }
0xaa: {  	s25 =	sadd.s32 $0x1, s25;
	s8 =	sor.u32 $0x2200, s10;
	v10 =	vld [tilespmem:s5+$0x0];
	v1 =	vadd.f32 v1, v6  }
0xab: {  	s17 =	sor.u32 s2, s8;
	v4 =	vadd.f32 v9, v4;
	s8 =	sor.u32 s31, s8;
	s5 =	sand.u32 $0x3, s25;
	v6 =	vld [tilespmem:s4+$0x200];
	v3 =	vadd.f32 v5, v3  }
0xac: {  	s16 =	sor.u32 $0x2280, s10;
	s5 =	sshll.u32 s5, $0x5;
	v5 =	vld [tilespmem:s8+$0x0];
	[tilespmem:s23+$0x0] =	vst v1  }
0xad: {  	s5 =	sadd.s32 s5, s24;
	s8 =	sor.u32 $0x2300, s10;
	v1 =	vadd.f32 v7, v4;
	v4 =	vld [tilespmem:s4+$0x280];
	v3 =	vadd.f32 v8, v3;
	s4 =	sor.u32 s31, s16  }
0xae: {  	s16 =	sor.u32 s2, s16;
	s20 =	sadd.s32 $0x10, s5;
	v7 =	vld [tilespmem:s4+$0x0];
	s4 =	sor.u32 s31, s8  }
0xaf: {  	s11 =	sor.u32 $0x2380, s10;
	s5 =	sor.u32 $0x300, s5;
	v1 =	vadd.f32 v2, v1;
	s18 =	sor.u32 $0x300, s20;
	v2 =	vadd.f32 v10, v3;
	v3 =	vld [tilespmem:s4+$0x0]  }
0xb0: {  	s10 =	sor.u32 s2, s11;
	s4 =	sor.u32 s2, s8;
	s2 =	sor.u32 s31, s11;
	v8 =	vld [tilespmem:s18+$0x0]  }
0xb1: {  	s8 =	sor.u32 $0x380, s20;
	v1 =	vadd.f32 v6, v1;
	v2 =	vadd.f32 v5, v2;
	v5 =	vld [tilespmem:s2+$0x0]  }
0xb2: {  	v6 =	vld [tilespmem:s8+$0x0]  }
0xb3: {  	v1 =	vadd.f32 v4, v1;
	v9 =	vld [tilespmem:s19+$0x0];
	v2 =	vadd.f32 v7, v2  }
0xb4: {  	s2 =	sand.u32 $0x380, s29;
	v4 =	vld [tilespmem:s15+$0x0]  }
0xb5: {  	s2 =	sor.u32 s31, s2;
	v7 =	vld [tilespmem:s30+$0x0];
	v1 =	vadd.f32 v8, v1;
	v2 =	vadd.f32 v3, v2  }
0xb6: {  	v3 =	vld [tilespmem:s2+$0x8000]  }
0xb7: {  	v8 =	vld [tilespmem:s30+$0x80];
	v1 =	vadd.f32 v6, v1;
	v2 =	vadd.f32 v5, v2  }
0xb8: {  	v5 =	vld [tilespmem:s0+$0x0]  }
0xb9: {  	v6 =	vld [tilespmem:s30+$0x100];
	v9 =	vadd.f32 v4, v9;
	v1 =	vadd.f32 v2, v1  }
0xba: {  	v10 =	vld [tilespmem:s9+$0x0]  }
0xbb: {  	v11 =	vld [tilespmem:s30+$0x180];
	v1 =	vadd.f32 v1, v3  }
0xbc: {  	v2 =	vadd.f32 v8, v7;
	v8 =	vld [tilespmem:s17+$0x0]  }
.Ltmp2:
0xbd: {  	v4 =	vld [tilespmem:s30+$0x200];
	v5 =	vadd.f32 v5, v9;
	[tilespmem:s2+$0x8000] =	vst v1;
	(pc) =	sbr.rel @p1 .LBB2_3-.Ltmp2, $4  }
0xbe: {  	v1 =	vadd.f32 v6, v2;
	v2 =	vld [tilespmem:s16+$0x0]  }
0xbf: {  	v3 =	vld [tilespmem:s30+$0x280];
	v5 =	vadd.f32 v10, v5  }
0xc0: {  	v7 =	vadd.f32 v11, v1;
	v1 =	vld [tilespmem:s5+$0x0]  }
0xc1: {  	s29 =	sadd.s32 $0x20, s29;
	v6 =	vadd.f32 v8, v5;
	v5 =	vld [tilespmem:s4+$0x0]  }
0xc2: {  	v4 =	vadd.f32 v4, v7;
	v7 =	vld [tilespmem:s10+$0x0]  }
0xc3: {  	v8 =	vld [tilespmem:s26+$0x0]  }
0xc4: {  	v2 =	vadd.f32 v2, v6;
	v3 =	vadd.f32 v3, v4;
	_ =	sdelay $0x1  }
0xc5: {  	s0 =	sadd.s32 $0x20, s23;
	v1 =	vadd.f32 v1, v3;
	v2 =	vadd.f32 v5, v2  }
0xc6: {  	v3 =	vld [tilespmem:s0+$0x0]  }
0xc7: {  	v1 =	vadd.f32 v8, v1;
	v2 =	vadd.f32 v7, v2;
	_ =	sdelay $0x1  }
0xc8: {  	v1 =	vadd.f32 v2, v1  }
0xc9: {  	s23 =	sshll.u32 s22, $0x5  }
0xca: {  	s2 =	sadd.s32 s23, s6;
	v1 =	vadd.f32 v1, v3  }
0xcb: {  	s2 =	sshll.u32 s2, $0x7  }
0xcc: {  	s24 =	simm.s32 $0x0;
	s25 =	sadd.s32 s1, s2;
	[tilespmem:s0+$0x0] =	vst v1  }
0xcd: {  	[tilespmem:s24], [sflag:$0x1] =	stream.linear.gather [hbm4b:s25+s24], $0x4000, $0x38;
	[tilespmem:$0x8C00] =	vst v63  }
0xce: {  	s28 =	sand.u32 $0x60, s24;
	s26 =	sand.u32 $0x1C00, s24;
	_ =	swait.ge [sflag:s14], $0x4000  }
0xcf: {  	s30 =	sor.u32 s24, s24;
	s4 =	sor.u32 $0x4000, s26;
	[sflag:s14] =	ssyncset.done $0x0  }
0xd0: {  	s5 =	sor.u32 $0x10, s28;
	s2 =	sor.u32 $0x380, s30;
	[sflag:s14] =	ssyncadd.s32 $0xFFFFC000  }
0xd1: {  	s31 =	sor.u32 s5, s4;
	v1 =	vld [tilespmem:s2+$0x4000]  }
0xd2: {  	s8 =	sor.u32 $0x6000, s26;
	v2 =	vld [tilespmem:s31+$0x0]  }
0xd3: {  	s9 =	sor.u32 $0x6080, s26;
	s15 =	sor.u32 s5, s8;
	v3 =	vld [tilespmem:s31+$0x80]  }
0xd4: {  	s16 =	sor.u32 s5, s9;
	v4 =	vld [tilespmem:s15+$0x0]  }
0xd5: {  	s11 =	sor.u32 $0x6100, s26;
	v5 =	vld [tilespmem:s16+$0x0]  }
0xd6: {  	s17 =	sor.u32 s5, s11;
	v6 =	vld [tilespmem:s31+$0x100]  }
0xd7: {  	v7 =	vld [tilespmem:s17+$0x0]  }
0xd8: {  	v8 =	vld [tilespmem:s31+$0x180]  }
0xd9: {  	v10 =	vld [tilespmem:s31+$0x200]  }
0xda: {  	s9 =	sor.u32 s28, s9;
	s15 =	sor.u32 $0x6180, s26;
	v12 =	vld [tilespmem:s31+$0x280]  }
0xdb: {  	s19 =	sand.u32 $0x3, s24;
	s16 =	sor.u32 $0x6200, s26;
	v63 =	vld [tilespmem:s9+$0x0];
	s18 =	sor.u32 s5, s15  }
0xdc: {  	s10 =	sshll.u32 s19, $0x5;
	s17 =	sor.u32 s5, s16;
	v9 =	vld [tilespmem:s18+$0x0];
	s18 =	sor.u32 $0x6280, s26  }
0xdd: {  	s10 =	sadd.s32 $0x0, s10;
	v11 =	vld [tilespmem:s17+$0x0];
	s17 =	sor.u32 $0x6300, s26;
	s20 =	sor.u32 s5, s18;
	v2 =	vadd.f32 v3, v2;
	v3 =	vadd.f32 v5, v4  }
0xde: {  	s19 =	sadd.s32 $0x10, s10;
	s25 =	sor.u32 s5, s17;
	v4 =	vld [tilespmem:s20+$0x0]  }
0xdf: {  	s0 =	sor.u32 $0x6380, s26;
	s20 =	sor.u32 $0x300, s19;
	v5 =	vld [tilespmem:s25+$0x0];
	v2 =	vadd.f32 v6, v2;
	v3 =	vadd.f32 v7, v3  }
0xe0: {  	s26 =	sor.u32 s5, s0;
	v6 =	vld [tilespmem:s20+$0x4000]  }
0xe1: {  	s19 =	sor.u32 $0x380, s19;
	v7 =	vld [tilespmem:s26+$0x0];
	v2 =	vadd.f32 v8, v2;
	v3 =	vadd.f32 v9, v3  }
0xe2: {  	s2 =	sor.u32 s28, s4;
	v8 =	vld [tilespmem:s19+$0x4000]  }
0xe3: {  	v9 =	vld [tilespmem:s2+$0x0];
	v2 =	vadd.f32 v10, v2;
	v3 =	vadd.f32 v11, v3  }
0xe4: {  	s30 =	sor.u32 s28, s8;
	s31 =	sand.u32 $0x380, s24;
	v10 =	vld [tilespmem:s2+$0x80]  }
0xe5: {  	s8 =	sor.u32 s5, s31;
	v11 =	vld [tilespmem:s30+$0x0];
	v2 =	vadd.f32 v12, v2;
	v3 =	vadd.f32 v4, v3  }
0xe6: {  	v4 =	vld [tilespmem:s8+$0x8000]  }
0xe7: {  	s19 =	sor.u32 s28, s11;
	v2 =	vadd.f32 v6, v2;
	v3 =	vadd.f32 v5, v3;
	v5 =	vld [tilespmem:s2+$0x100]  }
0xe8: {  	v6 =	vld [tilespmem:s19+$0x0]  }
0xe9: {  	s20 =	sor.u32 s28, s15;
	v2 =	vadd.f32 v8, v2;
	v3 =	vadd.f32 v7, v3;
	v7 =	vld [tilespmem:s2+$0x180]  }
0xea: {  	v8 =	vadd.f32 v10, v9;
	v9 =	vld [tilespmem:s20+$0x0]  }
0xeb: {  	s25 =	sor.u32 s28, s16;
	v10 =	vld [tilespmem:s2+$0x200];
	v2 =	vadd.f32 v3, v2;
	v3 =	vadd.f32 v63, v11  }
0xec: {  	v8 =	vadd.f32 v5, v8;
	v5 =	vld [tilespmem:s25+$0x0]  }
0xed: {  	s26 =	sor.u32 s28, s18;
	v11 =	vadd.f32 v2, v4;
	v2 =	vld [tilespmem:s2+$0x280];
	v6 =	vadd.f32 v6, v3  }
0xee: {  	s30 =	sor.u32 $0x300, s10;
	v3 =	vld [tilespmem:s26+$0x0];
	v7 =	vadd.f32 v7, v8  }
0xef: {  	s29 =	simm.s32 $0x20;
	s31 =	sor.u32 s28, s17;
	s20 =	sor.u32 s28, s0;
	v4 =	vld [tilespmem:s30+$0x4000];
	v8 =	vadd.f32 v9, v6  }
0xf0: {  	s28 =	simm.s32 $0x100;
	s25 =	simm.s32 $0x8000;
	s26 =	simm.s32 $0x0;
	[tilespmem:s8+$0x8000] =	vst v11;
	v6 =	vld [tilespmem:s31+$0x0];
	v7 =	vadd.f32 v10, v7  }
.LBB2_5:
0xf1: {  	s2 =	sand.u32 $0x60, s29;
	s9 =	sand.u32 $0x1C00, s28;
	s0 =	sor.u32 s28, s29;
	v5 =	vadd.f32 v5, v8;
	v8 =	vld [tilespmem:s20+$0x0]  }
0xf2: {  	s4 =	sor.u32 $0x4000, s9;
	s0 =	sor.u32 $0x380, s0;
	s31 =	sor.u32 $0x10, s2;
	v9 =	vld [tilespmem:s25+$0x0];
	v2 =	vadd.f32 v2, v7  }
0xf3: {  	s30 =	sor.u32 s2, s4;
	v7 =	vld [tilespmem:s0+$0x4000];
	s4 =	sor.u32 s31, s4;
	v3 =	vadd.f32 v3, v5  }
0xf4: {  	s26 =	sadd.s32 $0x2, s26;
	s0 =	sor.u32 $0x6000, s9;
	v5 =	vld [tilespmem:s4+$0x0];
	v2 =	vadd.f32 v4, v2  }
0xf5: {  	s5 =	sor.u32 $0x6080, s9;
	p1 =	slt.u32 s26, $0x3E;
	s8 =	sor.u32 s31, s0;
	v4 =	vld [tilespmem:s4+$0x80];
	v3 =	vadd.f32 v6, v3  }
0xf6: {  	s10 =	sor.u32 s2, s0;
	s0 =	sor.u32 s2, s5;
	s5 =	sor.u32 s31, s5;
	v6 =	vld [tilespmem:s8+$0x0];
	v2 =	vadd.f32 v1, v2  }
0xf7: {  	s8 =	sor.u32 $0x6100, s9;
	v10 =	vld [tilespmem:s5+$0x0];
	v3 =	vadd.f32 v8, v3  }
0xf8: {  	s19 =	sor.u32 s2, s8;
	s5 =	sor.u32 s31, s8;
	v8 =	vld [tilespmem:s4+$0x100];
	v1 =	vmov v7  }
0xf9: {  	s8 =	sor.u32 $0x6180, s9;
	v7 =	vld [tilespmem:s5+$0x0];
	v2 =	vadd.f32 v3, v2  }
0xfa: {  	s17 =	sor.u32 s2, s8;
	s5 =	sor.u32 s31, s8;
	v3 =	vld [tilespmem:s4+$0x180]  }
0xfb: {  	s24 =	sadd.s32 $0x1, s24;
	s8 =	sor.u32 $0x6200, s9;
	v11 =	vld [tilespmem:s5+$0x0];
	v2 =	vadd.f32 v2, v9  }
0xfc: {  	s15 =	sor.u32 s2, s8;
	v4 =	vadd.f32 v4, v5;
	s8 =	sor.u32 s31, s8;
	s5 =	sand.u32 $0x3, s24;
	v5 =	vld [tilespmem:s4+$0x200];
	v6 =	vadd.f32 v10, v6  }
0xfd: {  	s11 =	sor.u32 $0x6280, s9;
	s5 =	sshll.u32 s5, $0x5;
	v9 =	vld [tilespmem:s8+$0x0];
	[tilespmem:s25+$0x0] =	vst v2  }
0xfe: {  	s16 =	sor.u32 s31, s11;
	s5 =	sadd.s32 s5, s28;
	s8 =	sor.u32 $0x6300, s9;
	v2 =	vadd.f32 v8, v4;
	v4 =	vld [tilespmem:s4+$0x280];
	v6 =	vadd.f32 v7, v6  }
0xff: {  	s4 =	sor.u32 s2, s11;
	s11 =	sadd.s32 $0x10, s5;
	v7 =	vld [tilespmem:s16+$0x0];
	s16 =	sor.u32 s31, s8  }
0x100: {  	s9 =	sor.u32 $0x6380, s9;
	s5 =	sor.u32 $0x300, s5;
	v2 =	vadd.f32 v3, v2;
	s18 =	sor.u32 $0x300, s11;
	v3 =	vadd.f32 v11, v6;
	v6 =	vld [tilespmem:s16+$0x0]  }
0x101: {  	s20 =	sor.u32 s2, s9;
	s8 =	sor.u32 s2, s8;
	s2 =	sor.u32 s31, s9;
	v8 =	vld [tilespmem:s18+$0x4000]  }
0x102: {  	s9 =	sor.u32 $0x380, s11;
	v2 =	vadd.f32 v5, v2;
	v3 =	vadd.f32 v9, v3;
	v5 =	vld [tilespmem:s2+$0x0]  }
0x103: {  	v9 =	vld [tilespmem:s9+$0x4000]  }
0x104: {  	v2 =	vadd.f32 v4, v2;
	v10 =	vld [tilespmem:s30+$0x0];
	v3 =	vadd.f32 v7, v3  }
0x105: {  	s2 =	sand.u32 $0x380, s29;
	v4 =	vld [tilespmem:s30+$0x80]  }
0x106: {  	s2 =	sor.u32 s31, s2;
	v7 =	vld [tilespmem:s10+$0x0];
	v2 =	vadd.f32 v8, v2;
	v3 =	vadd.f32 v6, v3  }
0x107: {  	v6 =	vld [tilespmem:s2+$0x8000]  }
0x108: {  	v8 =	vld [tilespmem:s0+$0x0];
	v2 =	vadd.f32 v9, v2;
	v3 =	vadd.f32 v5, v3  }
0x109: {  	v5 =	vld [tilespmem:s30+$0x100]  }
0x10a: {  	v4 =	vadd.f32 v4, v10;
	v9 =	vld [tilespmem:s19+$0x0];
	v2 =	vadd.f32 v3, v2  }
0x10b: {  	v3 =	vld [tilespmem:s30+$0x180]  }
0x10c: {  	v10 =	vld [tilespmem:s17+$0x0];
	v2 =	vadd.f32 v2, v6  }
0x10d: {  	v6 =	vld [tilespmem:s30+$0x200];
	v7 =	vadd.f32 v8, v7  }
.Ltmp3:
0x10e: {  	v4 =	vadd.f32 v5, v4;
	v5 =	vld [tilespmem:s15+$0x0];
	[tilespmem:s2+$0x8000] =	vst v2;
	(pc) =	sbr.rel @p1 .LBB2_5-.Ltmp3, $4  }
0x10f: {  	v2 =	vld [tilespmem:s30+$0x280];
	v7 =	vadd.f32 v9, v7  }
0x110: {  	v9 =	vadd.f32 v3, v4;
	v3 =	vld [tilespmem:s4+$0x0]  }
0x111: {  	v4 =	vld [tilespmem:s5+$0x4000];
	v8 =	vadd.f32 v10, v7  }
0x112: {  	s28 =	sadd.s32 $0x100, s28;
	s25 =	sadd.s32 $0x20, s25;
	s29 =	sadd.s32 $0x20, s29;
	v7 =	vadd.f32 v6, v9;
	v6 =	vld [tilespmem:s8+$0x0]  }
0x113: {  	v5 =	vadd.f32 v5, v8  }
0x114: {  	v62 =	vld [tilespmem:s20+$0x0]  }
0x115: {  	v2 =	vadd.f32 v2, v7;
	v3 =	vadd.f32 v3, v5;
	_ =	sdelay $0x1  }
0x116: {  	v2 =	vadd.f32 v4, v2;
	v3 =	vadd.f32 v6, v3  }
0x117: {  	v63 =	vld [tilespmem:s25+$0x0]  }
0x118: {  	v1 =	vadd.f32 v1, v2;
	v2 =	vadd.f32 v62, v3  }
0x119: {  	s22 =	sadd.s32 $0x1, s22  }
0x11a: {  	p1 =	sne.s32 s22, $0xB;
	v1 =	vadd.f32 v2, v1  }
.Ltmp4:
0x11b: {  	_ = 	snop;
	(pc) =	sbr.rel @p1 .LBB2_2-.Ltmp4, $4  }
0x11c: {  	s0 =	sadd.s32 s23, s7;
	v1 =	vadd.f32 v1, v63  }
0x11d: {  	s0 =	sshll.u32 s0, $0x7  }
0x11e: {  	s0 =	sadd.s32 s1, s0;
	[tilespmem:s25+$0x0] =	vst v1  }
0x11f: {  	[tilespmem:s12], [sflag:$0x2] =	stream.linear.gather [hbm4b:s0+s3], $0x4000, $0x38;
	[tilespmem:$0x8C00] =	vst v63  }
0x120: {  	s2 =	simm.s32 $0x0  }
0x121: {  	_ =	swait.ge [sflag:s13], $0x4000;
	s0 =	sand.u32 $0x60, s2  }
0x122: {  	[sflag:s13] =	ssyncset.done $0x0;
	s4 =	sand.u32 $0x1C00, s2;
	s5 =	sor.u32 $0x10, s0  }
0x123: {  	[sflag:s13] =	ssyncadd.s32 $0xFFFFC000;
	s8 =	sor.u32 s5, s4  }
0x124: {  	s9 =	sor.u32 $0x2000, s4;
	v1 =	vld [tilespmem:s8+$0x0]  }
0x125: {  	s10 =	sor.u32 $0x2080, s4;
	s11 =	sor.u32 s5, s9;
	v2 =	vld [tilespmem:s8+$0x80]  }
0x126: {  	s19 =	sor.u32 s5, s10;
	v3 =	vld [tilespmem:s11+$0x0]  }
0x127: {  	s15 =	sor.u32 $0x2100, s4;
	v4 =	vld [tilespmem:s19+$0x0]  }
0x128: {  	s20 =	sor.u32 s5, s15;
	v5 =	vld [tilespmem:s8+$0x100]  }
0x129: {  	s16 =	sor.u32 $0x2180, s4;
	v6 =	vld [tilespmem:s20+$0x0]  }
0x12a: {  	s22 =	sor.u32 s5, s16;
	v7 =	vld [tilespmem:s8+$0x180]  }
0x12b: {  	s17 =	sor.u32 $0x2200, s4;
	v8 =	vld [tilespmem:s22+$0x0]  }
0x12c: {  	s18 =	sor.u32 s5, s17;
	v9 =	vld [tilespmem:s8+$0x200]  }
0x12d: {  	v10 =	vld [tilespmem:s18+$0x0]  }
0x12e: {  	s29 =	sor.u32 s0, s9;
	v11 =	vld [tilespmem:s8+$0x280]  }
0x12f: {  	s30 =	sor.u32 s0, s10;
	v17 =	vld [tilespmem:s29+$0x0]  }
0x130: {  	s9 =	sor.u32 s0, s15;
	v18 =	vld [tilespmem:s30+$0x0]  }
0x131: {  	s10 =	sor.u32 s0, s16;
	v22 =	vld [tilespmem:s9+$0x0]  }
0x132: {  	s15 =	sor.u32 s0, s17;
	s19 =	sor.u32 $0x2280, s4;
	v24 =	vld [tilespmem:s10+$0x0]  }
0x133: {  	s18 =	sor.u32 $0x2300, s4;
	s22 =	sor.u32 $0x2380, s4;
	s4 =	sor.u32 s0, s4;
	v26 =	vld [tilespmem:s15+$0x0]  }
0x134: {  	v19 =	vld [tilespmem:s4+$0x0]  }
0x135: {  	v21 =	vld [tilespmem:s4+$0x80]  }
0x136: {  	v23 =	vld [tilespmem:s4+$0x100]  }
0x137: {  	v25 =	vld [tilespmem:s4+$0x180]  }
0x138: {  	v27 =	vld [tilespmem:s4+$0x200]  }
0x139: {  	s24 =	sor.u32 s5, s19;
	v29 =	vld [tilespmem:s4+$0x280]  }
0x13a: {  	s25 =	sor.u32 s5, s18;
	v12 =	vld [tilespmem:s24+$0x0]  }
0x13b: {  	s23 =	sand.u32 $0x3, s2;
	s26 =	sor.u32 s5, s22;
	v13 =	vld [tilespmem:s25+$0x0]  }
0x13c: {  	s31 =	sand.u32 $0x380, s2;
	s11 =	sshll.u32 s23, $0x5;
	s16 =	sor.u32 s0, s19;
	v15 =	vld [tilespmem:s26+$0x0]  }
0x13d: {  	s11 =	sadd.s32 $0x0, s11;
	s25 =	sor.u32 s5, s31;
	v28 =	vld [tilespmem:s16+$0x0]  }
0x13e: {  	s20 =	sadd.s32 $0x10, s11;
	s17 =	sor.u32 $0x300, s11;
	v20 =	vld [tilespmem:s25+$0x8000]  }
0x13f: {  	s23 =	sor.u32 $0x300, s20;
	v30 =	vld [tilespmem:s17+$0x0]  }
0x140: {  	s20 =	sor.u32 $0x380, s20;
	v14 =	vld [tilespmem:s23+$0x0]  }
0x141: {  	s19 =	sor.u32 s0, s18;
	v16 =	vld [tilespmem:s20+$0x0]  }
0x142: {  	s2 =	sor.u32 s2, s2;
	s0 =	sor.u32 s0, s22;
	s26 =	simm.s32 $0x20;
	v1 =	vadd.f32 v2, v1;
	v2 =	vadd.f32 v4, v3;
	v3 =	vld [tilespmem:s19+$0x0]  }
0x143: {  	s2 =	sor.u32 $0x380, s2;
	s28 =	sand.u32 $0x60, s26;
	s23 =	simm.s32 $0x100;
	v4 =	vld [tilespmem:s0+$0x0]  }
0x144: {  	s22 =	simm.s32 $0x8000;
	s9 =	sand.u32 $0x1C00, s23;
	s0 =	sor.u32 $0x10, s28;
	v1 =	vadd.f32 v5, v1;
	v2 =	vadd.f32 v6, v2;
	v5 =	vld [tilespmem:s2+$0x0]  }
0x145: {  	s20 =	sor.u32 s0, s9;
	v6 =	vld [tilespmem:s22+$0x0]  }
0x146: {  	v40 =	vld [tilespmem:s20+$0x100];
	v1 =	vadd.f32 v7, v1;
	v2 =	vadd.f32 v8, v2  }
0x147: {  	s5 =	sor.u32 $0x2000, s9;
	v42 =	vld [tilespmem:s20+$0x180]  }
0x148: {  	s8 =	sor.u32 $0x2080, s9;
	s24 =	sor.u32 s0, s5;
	v44 =	vld [tilespmem:s20+$0x200];
	v1 =	vadd.f32 v9, v1;
	v2 =	vadd.f32 v10, v2  }
0x149: {  	s29 =	sor.u32 s0, s8;
	v38 =	vld [tilespmem:s24+$0x0]  }
0x14a: {  	v39 =	vld [tilespmem:s29+$0x0];
	v1 =	vadd.f32 v11, v1;
	v2 =	vadd.f32 v12, v2  }
0x14b: {  	v7 =	vld [tilespmem:s20+$0x0]  }
0x14c: {  	s19 =	sor.u32 $0x2100, s9;
	v8 =	vld [tilespmem:s20+$0x80];
	v1 =	vadd.f32 v14, v1;
	v2 =	vadd.f32 v13, v2  }
0x14d: {  	s15 =	sor.u32 $0x2180, s9;
	s30 =	sor.u32 s0, s19;
	v47 =	vld [tilespmem:s20+$0x280]  }
0x14e: {  	s17 =	sor.u32 $0x2200, s9;
	s31 =	sor.u32 s0, s15;
	v41 =	vld [tilespmem:s30+$0x0];
	v1 =	vadd.f32 v16, v1;
	v2 =	vadd.f32 v15, v2  }
0x14f: {  	v45 =	vadd.f32 v18, v17;
	s11 =	sor.u32 s0, s17;
	v43 =	vld [tilespmem:s31+$0x0]  }
0x150: {  	s5 =	sor.u32 s28, s5;
	s24 =	simm.s32 $0x1;
	v46 =	vld [tilespmem:s11+$0x0];
	v1 =	vadd.f32 v2, v1;
	v2 =	vadd.f32 v21, v19  }
0x151: {  	s8 =	sor.u32 s28, s8;
	s29 =	sor.u32 $0x2280, s9;
	v54 =	vld [tilespmem:s5+$0x0];
	s10 =	sand.u32 $0x3, s24;
	v7 =	vadd.f32 v8, v7;
	v8 =	vadd.f32 v39, v38  }
0x152: {  	v49 =	vadd.f32 v22, v45;
	v55 =	vld [tilespmem:s8+$0x0];
	s16 =	sor.u32 s0, s29;
	s20 =	sor.u32 $0x2380, s9;
	s2 =	sshll.u32 s10, $0x5;
	v2 =	vadd.f32 v23, v2  }
0x153: {  	v48 =	vld [tilespmem:s16+$0x0];
	s31 =	sor.u32 s0, s20;
	s10 =	sadd.s32 $0x100, s2;
	s2 =	sor.u32 $0x2300, s9;
	v7 =	vadd.f32 v40, v7;
	v8 =	vadd.f32 v41, v8  }
0x154: {  	v10 =	vadd.f32 v24, v49;
	v52 =	vld [tilespmem:s31+$0x0];
	s11 =	sadd.s32 $0x10, s10;
	s18 =	sor.u32 s0, s2;
	v2 =	vadd.f32 v25, v2  }
0x155: {  	s30 =	sor.u32 $0x300, s11;
	v50 =	vld [tilespmem:s18+$0x0];
	v7 =	vadd.f32 v42, v7;
	v8 =	vadd.f32 v43, v8  }
0x156: {  	s16 =	sor.u32 s28, s19;
	v10 =	vadd.f32 v26, v10;
	v51 =	vld [tilespmem:s30+$0x0];
	v2 =	vadd.f32 v27, v2  }
0x157: {  	v59 =	vld [tilespmem:s16+$0x0];
	s11 =	sor.u32 $0x380, s11;
	v7 =	vadd.f32 v44, v7;
	v8 =	vadd.f32 v46, v8  }
0x158: {  	s9 =	sor.u32 s28, s9;
	v53 =	vld [tilespmem:s11+$0x0];
	v10 =	vadd.f32 v28, v10;
	v2 =	vadd.f32 v29, v2  }
0x159: {  	v56 =	vld [tilespmem:s9+$0x0];
	s11 =	sand.u32 $0x380, s26;
	v7 =	vadd.f32 v47, v7;
	v8 =	vadd.f32 v48, v8  }
0x15a: {  	v58 =	vld [tilespmem:s9+$0x80];
	s0 =	sor.u32 s0, s11;
	v3 =	vadd.f32 v3, v10;
	v2 =	vadd.f32 v30, v2  }
0x15b: {  	v57 =	vld [tilespmem:s0+$0x8000];
	v7 =	vadd.f32 v51, v7;
	v8 =	vadd.f32 v50, v8  }
0x15c: {  	s18 =	sor.u32 s28, s15;
	v3 =	vadd.f32 v4, v3;
	v2 =	vadd.f32 v5, v2;
	v5 =	vld [tilespmem:s9+$0x100]  }
0x15d: {  	v4 =	vadd.f32 v53, v7;
	v7 =	vadd.f32 v52, v8;
	v8 =	vld [tilespmem:s18+$0x0]  }
0x15e: {  	s19 =	sor.u32 s28, s17;
	v61 =	vld [tilespmem:s9+$0x180];
	v60 =	vadd.f32 v55, v54;
	v2 =	vadd.f32 v3, v2  }
0x15f: {  	v62 =	vld [tilespmem:s19+$0x0];
	v3 =	vadd.f32 v7, v4;
	v7 =	vadd.f32 v58, v56  }
0x160: {  	s29 =	sor.u32 s28, s29;
	v63 =	vadd.f32 v59, v60;
	v1 =	vadd.f32 v1, v20;
	v4 =	vld [tilespmem:s9+$0x200]  }
0x161: {  	v6 =	vadd.f32 v2, v6;
	v2 =	vld [tilespmem:s29+$0x0];
	v5 =	vadd.f32 v5, v7  }
0x162: {  	s31 =	sor.u32 $0x300, s10;
	[tilespmem:s25+$0x8000] =	vst v1;
	v8 =	vadd.f32 v8, v63;
	v9 =	vadd.f32 v3, v57;
	v3 =	vld [tilespmem:s9+$0x280]  }
0x163: {  	s2 =	sor.u32 s28, s2;
	s10 =	sor.u32 s28, s20;
	s30 =	sor.u32 s23, s26;
	v1 =	vld [tilespmem:s31+$0x0];
	[tilespmem:s22+$0x0] =	vst v6;
	v7 =	vadd.f32 v61, v5  }
0x164: {  	s28 =	simm.s32 $0x40;
	s26 =	simm.s32 $0x2;
	s25 =	sor.u32 $0x380, s30;
	[tilespmem:s0+$0x8000] =	vst v9;
	v6 =	vadd.f32 v62, v8;
	v5 =	vld [tilespmem:s2+$0x0]  }
.LBB2_8:
0x165: {  	s2 =	sand.u32 $0x60, s28;
	v4 =	vadd.f32 v4, v7;
	v7 =	vld [tilespmem:s10+$0x0];
	s23 =	sadd.s32 $0x100, s23;
	s22 =	sadd.s32 $0x20, s22  }
0x166: {  	s10 =	sand.u32 $0x1C00, s23;
	s0 =	sor.u32 s23, s28;
	s30 =	sor.u32 $0x10, s2;
	v8 =	vld [tilespmem:s25+$0x0];
	v2 =	vadd.f32 v2, v6  }
0x167: {  	s29 =	sor.u32 s2, s10;
	s25 =	sor.u32 $0x380, s0;
	s4 =	sor.u32 s30, s10;
	v6 =	vld [tilespmem:s22+$0x0];
	v3 =	vadd.f32 v3, v4  }
0x168: {  	s26 =	sadd.s32 $0x2, s26;
	s0 =	sor.u32 $0x2000, s10;
	v4 =	vld [tilespmem:s4+$0x0]  }
0x169: {  	p1 =	slt.u32 s26, $0x3E;
	s5 =	sor.u32 $0x2080, s10;
	s8 =	sor.u32 s30, s0;
	v9 =	vld [tilespmem:s4+$0x80];
	v1 =	vadd.f32 v1, v3;
	v2 =	vadd.f32 v5, v2  }
0x16a: {  	s19 =	sor.u32 s2, s0;
	s15 =	sor.u32 s2, s5;
	s0 =	sor.u32 s30, s5;
	v3 =	vld [tilespmem:s8+$0x0]  }
0x16b: {  	s5 =	sor.u32 $0x2100, s10;
	v5 =	vld [tilespmem:s0+$0x0];
	v1 =	vadd.f32 v8, v1;
	v2 =	vadd.f32 v7, v2  }
0x16c: {  	s0 =	sor.u32 s2, s5;
	s5 =	sor.u32 s30, s5;
	v7 =	vld [tilespmem:s4+$0x100]  }
0x16d: {  	s8 =	sor.u32 $0x2180, s10;
	v8 =	vld [tilespmem:s5+$0x0];
	v1 =	vadd.f32 v2, v1  }
0x16e: {  	s9 =	sor.u32 s2, s8;
	s5 =	sor.u32 s30, s8;
	v2 =	vld [tilespmem:s4+$0x180]  }
0x16f: {  	s24 =	sadd.s32 $0x1, s24;
	s8 =	sor.u32 $0x2200, s10;
	v10 =	vld [tilespmem:s5+$0x0];
	v1 =	vadd.f32 v1, v6  }
0x170: {  	s17 =	sor.u32 s2, s8;
	v4 =	vadd.f32 v9, v4;
	s8 =	sor.u32 s30, s8;
	s5 =	sand.u32 $0x3, s24;
	v6 =	vld [tilespmem:s4+$0x200];
	v3 =	vadd.f32 v5, v3  }
0x171: {  	s11 =	sor.u32 $0x2280, s10;
	s5 =	sshll.u32 s5, $0x5;
	v5 =	vld [tilespmem:s8+$0x0];
	[tilespmem:s22+$0x0] =	vst v1  }
0x172: {  	s5 =	sadd.s32 s5, s23;
	s8 =	sor.u32 $0x2300, s10;
	v1 =	vadd.f32 v7, v4;
	v4 =	vld [tilespmem:s4+$0x280];
	v3 =	vadd.f32 v8, v3;
	s4 =	sor.u32 s30, s11  }
0x173: {  	s11 =	sor.u32 s2, s11;
	s16 =	sadd.s32 $0x10, s5;
	v7 =	vld [tilespmem:s4+$0x0];
	s4 =	sor.u32 s30, s8  }
0x174: {  	s18 =	sor.u32 $0x2380, s10;
	s5 =	sor.u32 $0x300, s5;
	v1 =	vadd.f32 v2, v1;
	s20 =	sor.u32 $0x300, s16;
	v2 =	vadd.f32 v10, v3;
	v3 =	vld [tilespmem:s4+$0x0]  }
0x175: {  	s10 =	sor.u32 s2, s18;
	s4 =	sor.u32 s2, s8;
	s2 =	sor.u32 s30, s18;
	v8 =	vld [tilespmem:s20+$0x0]  }
0x176: {  	s8 =	sor.u32 $0x380, s16;
	v1 =	vadd.f32 v6, v1;
	v2 =	vadd.f32 v5, v2;
	v5 =	vld [tilespmem:s2+$0x0]  }
0x177: {  	v6 =	vld [tilespmem:s8+$0x0]  }
0x178: {  	v1 =	vadd.f32 v4, v1;
	v9 =	vld [tilespmem:s19+$0x0];
	v2 =	vadd.f32 v7, v2  }
0x179: {  	s2 =	sand.u32 $0x380, s28;
	v4 =	vld [tilespmem:s15+$0x0]  }
0x17a: {  	s2 =	sor.u32 s30, s2;
	v7 =	vld [tilespmem:s29+$0x0];
	v1 =	vadd.f32 v8, v1;
	v2 =	vadd.f32 v3, v2  }
0x17b: {  	v3 =	vld [tilespmem:s2+$0x8000]  }
0x17c: {  	v8 =	vld [tilespmem:s29+$0x80];
	v1 =	vadd.f32 v6, v1;
	v2 =	vadd.f32 v5, v2  }
0x17d: {  	v5 =	vld [tilespmem:s0+$0x0]  }
0x17e: {  	v6 =	vld [tilespmem:s29+$0x100];
	v9 =	vadd.f32 v4, v9;
	v1 =	vadd.f32 v2, v1  }
0x17f: {  	v10 =	vld [tilespmem:s9+$0x0]  }
0x180: {  	v11 =	vld [tilespmem:s29+$0x180];
	v1 =	vadd.f32 v1, v3  }
0x181: {  	v2 =	vadd.f32 v8, v7;
	v8 =	vld [tilespmem:s17+$0x0]  }
.Ltmp5:
0x182: {  	v4 =	vld [tilespmem:s29+$0x200];
	v5 =	vadd.f32 v5, v9;
	[tilespmem:s2+$0x8000] =	vst v1;
	(pc) =	sbr.rel @p1 .LBB2_8-.Ltmp5, $4  }
0x183: {  	v1 =	vadd.f32 v6, v2;
	v2 =	vld [tilespmem:s11+$0x0]  }
0x184: {  	v3 =	vld [tilespmem:s29+$0x280];
	v5 =	vadd.f32 v10, v5  }
0x185: {  	v7 =	vadd.f32 v11, v1;
	v1 =	vld [tilespmem:s5+$0x0]  }
0x186: {  	s28 =	sadd.s32 $0x20, s28;
	v6 =	vadd.f32 v8, v5;
	v5 =	vld [tilespmem:s4+$0x0]  }
0x187: {  	v4 =	vadd.f32 v4, v7;
	v7 =	vld [tilespmem:s10+$0x0]  }
0x188: {  	v8 =	vld [tilespmem:s25+$0x0]  }
0x189: {  	v2 =	vadd.f32 v2, v6;
	v3 =	vadd.f32 v3, v4;
	_ =	sdelay $0x1  }
0x18a: {  	s0 =	sadd.s32 $0x20, s22;
	v1 =	vadd.f32 v1, v3;
	v2 =	vadd.f32 v5, v2  }
0x18b: {  	v3 =	vld [tilespmem:s0+$0x0]  }
0x18c: {  	v1 =	vadd.f32 v8, v1;
	v2 =	vadd.f32 v7, v2;
	_ =	sdelay $0x1  }
0x18d: {  	v1 =	vadd.f32 v2, v1;
	_ =	sdelay $0x1  }
0x18e: {  	v1 =	vadd.f32 v1, v3;
	_ =	sdelay $0x1  }
0x18f: {  	s22 =	simm.s32 $0x0;
	[tilespmem:s0+$0x0] =	vst v1  }
0x190: {  	s25 =	sand.u32 $0x60, s22;
	s31 =	sand.u32 $0x1C00, s22;
	_ =	swait.ge [sflag:s14], $0x4000  }
0x191: {  	s2 =	sor.u32 s22, s22;
	s4 =	sor.u32 $0x4000, s31;
	[sflag:s14] =	ssyncset.done $0x0  }
0x192: {  	s2 =	sor.u32 $0x380, s2;
	s5 =	sor.u32 $0x10, s25;
	[sflag:s14] =	ssyncadd.s32 $0xFFFFC000  }
0x193: {  	s19 =	sor.u32 s5, s4;
	v1 =	vld [tilespmem:s2+$0x4000]  }
0x194: {  	s8 =	sor.u32 $0x6000, s31;
	v2 =	vld [tilespmem:s19+$0x0]  }
0x195: {  	s9 =	sor.u32 $0x6080, s31;
	s20 =	sor.u32 s5, s8;
	v3 =	vld [tilespmem:s19+$0x80]  }
0x196: {  	s23 =	sor.u32 s5, s9;
	v4 =	vld [tilespmem:s20+$0x0]  }
0x197: {  	s11 =	sor.u32 $0x6100, s31;
	v5 =	vld [tilespmem:s23+$0x0]  }
0x198: {  	s24 =	sor.u32 s5, s11;
	v6 =	vld [tilespmem:s19+$0x100]  }
0x199: {  	s15 =	sor.u32 $0x6180, s31;
	v7 =	vld [tilespmem:s24+$0x0]  }
0x19a: {  	s26 =	sor.u32 s5, s15;
	v8 =	vld [tilespmem:s19+$0x180]  }
0x19b: {  	s16 =	sor.u32 $0x6200, s31;
	v9 =	vld [tilespmem:s26+$0x0]  }
0x19c: {  	s17 =	sor.u32 s5, s16;
	v10 =	vld [tilespmem:s19+$0x200]  }
0x19d: {  	s28 =	sand.u32 $0x3, s22;
	v11 =	vld [tilespmem:s17+$0x0]  }
0x19e: {  	s10 =	sshll.u32 s28, $0x5;
	s18 =	sor.u32 $0x6280, s31;
	v12 =	vld [tilespmem:s19+$0x280];
	s23 =	sor.u32 s25, s9  }
0x19f: {  	s10 =	sadd.s32 $0x0, s10;
	s29 =	sor.u32 s5, s18;
	s17 =	sor.u32 $0x6300, s31;
	v63 =	vld [tilespmem:s23+$0x0];
	v2 =	vadd.f32 v3, v2;
	v3 =	vadd.f32 v5, v4  }
0x1a0: {  	s19 =	sadd.s32 $0x10, s10;
	s30 =	sor.u32 s5, s17;
	v4 =	vld [tilespmem:s29+$0x0]  }
0x1a1: {  	s0 =	sor.u32 $0x6380, s31;
	s20 =	sor.u32 $0x300, s19;
	v5 =	vld [tilespmem:s30+$0x0];
	v2 =	vadd.f32 v6, v2;
	v3 =	vadd.f32 v7, v3  }
0x1a2: {  	s31 =	sor.u32 s5, s0;
	v6 =	vld [tilespmem:s20+$0x4000]  }
0x1a3: {  	s19 =	sor.u32 $0x380, s19;
	v7 =	vld [tilespmem:s31+$0x0];
	v2 =	vadd.f32 v8, v2;
	v3 =	vadd.f32 v9, v3  }
0x1a4: {  	s20 =	sor.u32 s25, s4;
	v8 =	vld [tilespmem:s19+$0x4000]  }
0x1a5: {  	v9 =	vld [tilespmem:s20+$0x0];
	v2 =	vadd.f32 v10, v2;
	v3 =	vadd.f32 v11, v3  }
0x1a6: {  	s30 =	sor.u32 s25, s8;
	s31 =	sand.u32 $0x380, s22;
	v10 =	vld [tilespmem:s20+$0x80]  }
0x1a7: {  	s19 =	sor.u32 s5, s31;
	v11 =	vld [tilespmem:s30+$0x0];
	v2 =	vadd.f32 v12, v2;
	v3 =	vadd.f32 v4, v3  }
0x1a8: {  	v4 =	vld [tilespmem:s19+$0x8000]  }
0x1a9: {  	s24 =	sor.u32 s25, s11;
	v2 =	vadd.f32 v6, v2;
	v3 =	vadd.f32 v5, v3;
	v5 =	vld [tilespmem:s20+$0x100]  }
0x1aa: {  	v6 =	vld [tilespmem:s24+$0x0]  }
0x1ab: {  	s26 =	sor.u32 s25, s15;
	v2 =	vadd.f32 v8, v2;
	v3 =	vadd.f32 v7, v3;
	v7 =	vld [tilespmem:s20+$0x180]  }
0x1ac: {  	v8 =	vadd.f32 v10, v9;
	v9 =	vld [tilespmem:s26+$0x0]  }
0x1ad: {  	s28 =	sor.u32 s25, s16;
	v10 =	vld [tilespmem:s20+$0x200];
	v2 =	vadd.f32 v3, v2;
	v3 =	vadd.f32 v63, v11  }
0x1ae: {  	v8 =	vadd.f32 v5, v8;
	v5 =	vld [tilespmem:s28+$0x0]  }
0x1af: {  	s29 =	sor.u32 s25, s18;
	v11 =	vadd.f32 v2, v4;
	v2 =	vld [tilespmem:s20+$0x280];
	v6 =	vadd.f32 v6, v3  }
0x1b0: {  	s30 =	sor.u32 $0x300, s10;
	v3 =	vld [tilespmem:s29+$0x0];
	v7 =	vadd.f32 v7, v8  }
0x1b1: {  	s23 =	simm.s32 $0x8000;
	s31 =	sor.u32 s25, s17;
	s24 =	simm.s32 $0x0;
	v4 =	vld [tilespmem:s30+$0x4000];
	v8 =	vadd.f32 v9, v6  }
0x1b2: {  	s26 =	simm.s32 $0x20;
	s20 =	sor.u32 s25, s0;
	s25 =	simm.s32 $0x100;
	[tilespmem:s19+$0x8000] =	vst v11;
	v6 =	vld [tilespmem:s31+$0x0];
	v7 =	vadd.f32 v10, v7  }
.LBB2_10:
0x1b3: {  	s2 =	sand.u32 $0x60, s26;
	s9 =	sand.u32 $0x1C00, s25;
	s0 =	sor.u32 s25, s26;
	v5 =	vadd.f32 v5, v8;
	v8 =	vld [tilespmem:s20+$0x0]  }
0x1b4: {  	s4 =	sor.u32 $0x4000, s9;
	s0 =	sor.u32 $0x380, s0;
	s29 =	sor.u32 $0x10, s2;
	v9 =	vld [tilespmem:s23+$0x0];
	v2 =	vadd.f32 v2, v7  }
0x1b5: {  	s28 =	sor.u32 s2, s4;
	v7 =	vld [tilespmem:s0+$0x4000];
	s4 =	sor.u32 s29, s4;
	v3 =	vadd.f32 v3, v5  }
0x1b6: {  	s24 =	sadd.s32 $0x2, s24;
	s0 =	sor.u32 $0x6000, s9;
	v5 =	vld [tilespmem:s4+$0x0];
	v2 =	vadd.f32 v4, v2  }
0x1b7: {  	s5 =	sor.u32 $0x6080, s9;
	p1 =	slt.u32 s24, $0x3E;
	s8 =	sor.u32 s29, s0;
	v4 =	vld [tilespmem:s4+$0x80];
	v3 =	vadd.f32 v6, v3  }
0x1b8: {  	s10 =	sor.u32 s2, s0;
	s0 =	sor.u32 s2, s5;
	s5 =	sor.u32 s29, s5;
	v6 =	vld [tilespmem:s8+$0x0];
	v2 =	vadd.f32 v1, v2  }
0x1b9: {  	s8 =	sor.u32 $0x6100, s9;
	v10 =	vld [tilespmem:s5+$0x0];
	v3 =	vadd.f32 v8, v3  }
0x1ba: {  	s19 =	sor.u32 s2, s8;
	s5 =	sor.u32 s29, s8;
	v8 =	vld [tilespmem:s4+$0x100];
	v1 =	vmov v7  }
0x1bb: {  	s8 =	sor.u32 $0x6180, s9;
	v7 =	vld [tilespmem:s5+$0x0];
	v2 =	vadd.f32 v3, v2  }
0x1bc: {  	s17 =	sor.u32 s2, s8;
	s5 =	sor.u32 s29, s8;
	v3 =	vld [tilespmem:s4+$0x180]  }
0x1bd: {  	s22 =	sadd.s32 $0x1, s22;
	s8 =	sor.u32 $0x6200, s9;
	v11 =	vld [tilespmem:s5+$0x0];
	v2 =	vadd.f32 v2, v9  }
0x1be: {  	s15 =	sor.u32 s2, s8;
	v4 =	vadd.f32 v4, v5;
	s8 =	sor.u32 s29, s8;
	s5 =	sand.u32 $0x3, s22;
	v5 =	vld [tilespmem:s4+$0x200];
	v6 =	vadd.f32 v10, v6  }
0x1bf: {  	s11 =	sor.u32 $0x6280, s9;
	s5 =	sshll.u32 s5, $0x5;
	v9 =	vld [tilespmem:s8+$0x0];
	[tilespmem:s23+$0x0] =	vst v2  }
0x1c0: {  	s16 =	sor.u32 s29, s11;
	s5 =	sadd.s32 s5, s25;
	s8 =	sor.u32 $0x6300, s9;
	v2 =	vadd.f32 v8, v4;
	v4 =	vld [tilespmem:s4+$0x280];
	v6 =	vadd.f32 v7, v6  }
0x1c1: {  	s4 =	sor.u32 s2, s11;
	s11 =	sadd.s32 $0x10, s5;
	v7 =	vld [tilespmem:s16+$0x0];
	s16 =	sor.u32 s29, s8  }
0x1c2: {  	s9 =	sor.u32 $0x6380, s9;
	s5 =	sor.u32 $0x300, s5;
	v2 =	vadd.f32 v3, v2;
	s18 =	sor.u32 $0x300, s11;
	v3 =	vadd.f32 v11, v6;
	v6 =	vld [tilespmem:s16+$0x0]  }
0x1c3: {  	s20 =	sor.u32 s2, s9;
	s8 =	sor.u32 s2, s8;
	s2 =	sor.u32 s29, s9;
	v8 =	vld [tilespmem:s18+$0x4000]  }
0x1c4: {  	s9 =	sor.u32 $0x380, s11;
	v2 =	vadd.f32 v5, v2;
	v3 =	vadd.f32 v9, v3;
	v5 =	vld [tilespmem:s2+$0x0]  }
0x1c5: {  	v9 =	vld [tilespmem:s9+$0x4000]  }
0x1c6: {  	v2 =	vadd.f32 v4, v2;
	v10 =	vld [tilespmem:s28+$0x0];
	v3 =	vadd.f32 v7, v3  }
0x1c7: {  	s2 =	sand.u32 $0x380, s26;
	v4 =	vld [tilespmem:s28+$0x80]  }
0x1c8: {  	s2 =	sor.u32 s29, s2;
	v7 =	vld [tilespmem:s10+$0x0];
	v2 =	vadd.f32 v8, v2;
	v3 =	vadd.f32 v6, v3  }
0x1c9: {  	v6 =	vld [tilespmem:s2+$0x8000]  }
0x1ca: {  	v8 =	vld [tilespmem:s0+$0x0];
	v2 =	vadd.f32 v9, v2;
	v3 =	vadd.f32 v5, v3  }
0x1cb: {  	v5 =	vld [tilespmem:s28+$0x100]  }
0x1cc: {  	v4 =	vadd.f32 v4, v10;
	v9 =	vld [tilespmem:s19+$0x0];
	v2 =	vadd.f32 v3, v2  }
0x1cd: {  	v3 =	vld [tilespmem:s28+$0x180]  }
0x1ce: {  	v10 =	vld [tilespmem:s17+$0x0];
	v2 =	vadd.f32 v2, v6  }
0x1cf: {  	v6 =	vld [tilespmem:s28+$0x200];
	v7 =	vadd.f32 v8, v7  }
.Ltmp6:
0x1d0: {  	v4 =	vadd.f32 v5, v4;
	v5 =	vld [tilespmem:s15+$0x0];
	[tilespmem:s2+$0x8000] =	vst v2;
	(pc) =	sbr.rel @p1 .LBB2_10-.Ltmp6, $4  }
0x1d1: {  	v2 =	vld [tilespmem:s28+$0x280];
	v7 =	vadd.f32 v9, v7  }
0x1d2: {  	v9 =	vadd.f32 v3, v4;
	v3 =	vld [tilespmem:s4+$0x0]  }
0x1d3: {  	v4 =	vld [tilespmem:s5+$0x4000];
	v8 =	vadd.f32 v10, v7  }
0x1d4: {  	s25 =	sadd.s32 $0x100, s25;
	s23 =	sadd.s32 $0x20, s23;
	s26 =	sadd.s32 $0x20, s26;
	v7 =	vadd.f32 v6, v9;
	v6 =	vld [tilespmem:s8+$0x0]  }
0x1d5: {  	v5 =	vadd.f32 v5, v8  }
0x1d6: {  	v62 =	vld [tilespmem:s20+$0x0]  }
0x1d7: {  	v2 =	vadd.f32 v2, v7;
	v3 =	vadd.f32 v3, v5;
	_ =	sdelay $0x1  }
0x1d8: {  	v2 =	vadd.f32 v4, v2;
	v3 =	vadd.f32 v6, v3  }
0x1d9: {  	v63 =	vld [tilespmem:s23+$0x0]  }
0x1da: {  	v1 =	vadd.f32 v1, v2;
	v2 =	vadd.f32 v62, v3;
	_ =	sdelay $0x1  }
0x1db: {  	v1 =	vadd.f32 v2, v1;
	_ =	sdelay $0x1  }
0x1dc: {  	v1 =	vadd.f32 v1, v63;
	_ =	sdelay $0x1  }
0x1dd: {  	s5 =	simm.s32 $0x80;
	s8 =	simm.s32 $0x400;
	[tilespmem:s23+$0x0] =	vst v1  }
0x1de: {  	s2 =	simm.s32 $0x8000;
	s31 =	simm.s32 $0x4;
	s0 =	rddreg [dreg:$0x6]  }
0x1df: {  	[spmem:s0] =	stream.strided.scatter [tilespmem:s2], [sflag:$0x4], $0x400, s8, s5, $0x38;
	[tilespmem:$0x8C00] =	vst v63  }
.Ltmp7:
0x1e0: {  	_ =	swait.ge [sflag:s31], $0x400;
	(pc) =	sbr.rel @p0 .LBB2_15-.Ltmp7, $3  }
0x1e1: {  	[sflag:s31] =	ssyncset.done $0x0  }
0x1e2: {  	[sflag:s31] =	ssyncadd.s32 $0xFFFFFC00  }
0x1e3: {  	[bflag:$0x0] =	sbarrier.arrive $0xFFFF;
	_ =	sdelay $0x1  }
0x1e4: {  	s0 =	rddreg [dreg:$0x7];
	s2 =	simm.s32 $0x8400;
	s30 =	simm.s32 $0x4  }
0x1e5: {  	[tilespmem:s2], [sflag:$0x4] =	stream.strided.gather [spmem:s0], $0x400, s8, s5, $0x38;
	[tilespmem:$0x8C00] =	vst v63  }
0x1e6: {  	_ =	swait.ge [sflag:s30], $0x400  }
0x1e7: {  	[sflag:s30] =	ssyncset.done $0x0  }
0x1e8: {  	s31 =	simm.s32 $0x8410;
	[sflag:s30] =	ssyncadd.s32 $0xFFFFFC00  }
0x1e9: {  	s0 =	simm.s32 $0x8010;
	v3 =	vld [tilespmem:s31+$0x0]  }
0x1ea: {  	v4 =	vld [tilespmem:s0+$0x0]  }
0x1eb: {  	v5 =	vld [tilespmem:s0+$0xFFFFFFF0]  }
0x1ec: {  	v6 =	vld [tilespmem:s31+$0xFFFFFFF0]  }
0x1ed: {  	s2 =	simm.s32 $0x8030  }
0x1ee: {  	s4 =	simm.s32 $0x8430;
	v1 =	vld [tilespmem:s2+$0xFFFFFFF0]  }
0x1ef: {  	v2 =	vld [tilespmem:s4+$0x0];
	v7 =	vadd.f32 v3, v4  }
0x1f0: {  	v3 =	vld [tilespmem:s2+$0x0]  }
0x1f1: {  	s9 =	simm.s32 $0x2;
	v5 =	vadd.f32 v6, v5;
	v4 =	vld [tilespmem:s4+$0xFFFFFFF0];
	[tilespmem:s0+$0x0] =	vst v7  }
.LBB2_13:
0x1f2: {  	s9 =	sadd.s32 $0x2, s9  }
0x1f3: {  	[tilespmem:s0+$0xFFFFFFF0] =	vst v5;
	s0 =	smov.u32 s2;
	p1 =	slt.u32 s9, $0x3E  }
.Ltmp8:
0x1f4: {  	s2 =	sadd.s32 $0x20, s2;
	v5 =	vmov v1;
	(pc) =	sbr.rel @p1 .LBB2_13-.Ltmp8, $4  }
0x1f5: {  	s4 =	sadd.s32 $0x20, s4;
	v1 =	vld [tilespmem:s2+$0xFFFFFFF0]  }
0x1f6: {  	v6 =	vadd.f32 v2, v3;
	v2 =	vld [tilespmem:s4+$0x0]  }
0x1f7: {  	v3 =	vld [tilespmem:s2+$0x0];
	v5 =	vadd.f32 v4, v5  }
0x1f8: {  	v4 =	vld [tilespmem:s4+$0xFFFFFFF0];
	[tilespmem:s0+$0x0] =	vst v6  }
0x1f9: {  	_ =	sdelay $0x2  }
0x1fa: {  	v2 =	vadd.f32 v2, v3  }
0x1fb: {  	[tilespmem:s0+$0xFFFFFFF0] =	vst v5;
	v1 =	vadd.f32 v4, v1  }
0x1fc: {  	[tilespmem:s2+$0x0] =	vst v2  }
0x1fd: {  	s30 =	simm.s32 $0x8000;
	[tilespmem:s2+$0xFFFFFFF0] =	vst v1  }
.Ltmp9:
0x1fe: {  	s31 =	simm.s32 $0x3;
	s0 =	rddreg [dreg:$0x8];
	(pc) =	sbr.rel .LBB2_15-.Ltmp9, $4  }
0x1ff: {  	[hbm4b:s0+s5] =	stream.strided.scatter [tilespmem:s30], [sflag:$0x3], $0x400, s8, s5, $0x38;
	[tilespmem:$0x8C00] =	vst v63  }
0x200: {  	_ =	swait.ge [sflag:s31], $0x400  }
0x201: {  	[sflag:s31] =	ssyncset.done $0x0  }
0x202: {  	[sflag:s31] =	ssyncadd.s32 $0xFFFFFC00  }
.LBB2_16:
0x203: {  	_ =	sfence.sel $0x180000  }
0x204: {  	[bflag:$0x0] =	sbarrier.arrive $0xFFFF  }
0x205: {  	_ =	strace $0x90000047  }
0x206: {  	s0 =	stileid.u32;
	[bflag:$0x2] =	sbarrier.arrive $0xFFFF  }
0x207: {  	p0 =	sne.s32 s0, $0x0;
	s0 =	rddreg [dreg:$0x3]  }
0x208: {  	s0 =	sadd.s32 @!p0 $0x100000, s0  }
0x209: {  	[sflag:s0] =	ssyncadd.tile.s32 @!p0 $0x1;
	_ =	shalt  }
.Lfunc_end2:
_tile_overlayer_lowered:
.L_overlay_start_2:
0x20a: {  	(tag) =	ssettag $0x2  }
0x20b: {  	s0 =	rddreg [dreg:$0x0];
	s2 =	stileid.u32  }
0x20c: {  	s1 =	rddreg [dreg:$0x1];
	p0 =	sne.s32 s2, $0x0  }
0x20d: {  	s3 =	rddreg [dreg:$0x2];
	[bflag:$0x3] =	sbarrier.arrive $0xFFFF;
	s2 =	simm.s32 @!p0 $0x1C04  }
0x20e: {  	[timem:s3], [sflag:s2] =	dma.local @!p0 [hbm:s0], s1  }
0x20f: {  	s0 =	simm.s32 @!p0 $0x4  }
0x210: {  	_ =	swait.ge @!p0 [sflag:s0], s1  }
0x211: {  	s1 =	ssub.s32 @!p0 $0x0, s1;
	[sflag:s0] =	ssyncset.done @!p0 $0x0  }
0x212: {  	[sflag:s0] =	ssyncadd.s32 @!p0 s1  }
0x213: {  	[bflag:$0x3] =	sbarrier.arrive $0xFFFF  }
0x214: {  	_ =	shalt  }

</sc_bundles>
